<compile_context>
chip_gen: v7x
topology: tpu7x:2x2x1
jax: 0.10.2.dev20260603
libtpu: 0.0.44.dev20260713+nightly
codegen_flags: <defaults>
</compile_context>

<pallas_src>
import functools

import jax
import jax.numpy as jnp
from jax import lax
from jax.experimental import pallas as pl
from jax.experimental.pallas import tpu as pltpu
from jax.experimental.pallas import tpu_sc as plsc

D = 64
DP = 128
CH = 128
K = 4
NC = 2
NS = 16
NW = NC * NS


@functools.lru_cache(maxsize=None)
def _make_gather(n_rows: int, n_tok_hi: int):
    n_per_w = n_rows // NW
    n_ch = n_per_w // CH
    n_gr = n_ch // K
    assert n_gr * K == n_ch
    mesh = plsc.VectorSubcoreMesh(core_axis_name="c", subcore_axis_name="s")

    @functools.partial(
        pl.kernel,
        mesh=mesh,
        out_type=jax.ShapeDtypeStruct((n_rows, DP), jnp.float32),
        scratch_types=[
            pltpu.VMEM((n_ch, CH), jnp.int32),
            pltpu.VMEM((K, CH, DP), jnp.float32),
            pltpu.SemaphoreType.DMA((K,)),
            pltpu.SemaphoreType.DMA((K,)),
        ],
        compiler_params=pltpu.CompilerParams(use_tc_tiling_on_sc=False),
    )
    def gather_kernel(idx_hbm, table_hbm, out_hbm, idx_v, rows_v, gsem, osem):
        wid = lax.axis_index("s") * NC + lax.axis_index("c")
        row0 = wid * n_ch
        pltpu.sync_copy(idx_hbm.at[pl.ds(row0, n_ch)], idx_v)

        def gather(j, b):
            return pltpu.make_async_copy(
                table_hbm.at[idx_v.at[j]], rows_v.at[b], gsem.at[b])

        def write(j, b):
            jg = row0 + j
            seq = (jg // (8 * n_tok_hi)) * 8 + jg % 8
            tok_hi = (jg // 8) % n_tok_hi
            dst = (seq * n_tok_hi + tok_hi) * CH
            return pltpu.make_async_copy(
                rows_v.at[b], out_hbm.at[pl.ds(dst, CH)], osem.at[b])

        for b in range(K):
            gather(b, b).start()

        def group(g, carry):
            for b in range(K):
                j = g * K + b
                gather(j, b).wait()
                w = write(j, b)
                w.start()
                w.wait()
                gather(j + K, b).start()
            return carry

        lax.fori_loop(0, n_gr - 1, group, 0)

        for b in range(K):
            j = (n_gr - 1) * K + b
            gather(j, b).wait()
            w = write(j, b)
            w.start()
            w.wait()

    return gather_kernel


def kernel(x, table):
    B, L = x.shape
    n = B * L
    tpad = jnp.pad(table, ((0, 0), (0, DP - D)))
    xl = (x.T.reshape(L // 8, 8, B // CH, CH)
          .transpose(0, 2, 1, 3).reshape(n // CH, CH).astype(jnp.int32))
    out = _make_gather(n, B // CH)(xl, tpad)
    return out[:, :D].reshape(L, B, D).transpose(1, 0, 2)

# --- scband reference (transcript-rebuilt; emitter-appended) ---
"""Pipeline reference for scband-token-embeddings-8392366096697 (READ-ONLY COPY).

The authoritative reference and input builder live on the scoring server;
editing this copy changes nothing except your own understanding.
"""

import jax, jax.numpy as jnp
import numpy as np

VOCAB = 1000000
DIM = 64
PAD = 0
B = 4096
L = 200


def setup_inputs(seed: int = 0) -> dict:
    key = jax.random.key(seed)
    k1, k2 = jax.random.split(key)
    table = jax.random.normal(k1, (VOCAB, DIM), dtype=jnp.float32)
    # nn.Embedding with padding_idx zeros the pad row at init
    table = table.at[PAD].set(0.0)
    x = jax.random.randint(k2, (B, L), 0, VOCAB)
    return {"x": x, "table": table}


def reference(x, table):
    # output = self.emb_layer(x)
    output = jnp.take(table, x, axis=0)
    return output

if __name__ == "__main__":
    import jax
    _d = setup_inputs()
    print(jax.jit(kernel)(*tuple(_d.values())))

</pallas_src>

<mosaic_0001>
#map = affine_map<(d0, d1) -> (0, 0)>
module attributes {stable_mosaic.version = 14 : i64} {
  func.func @gather_kernel(%arg0: i32, %arg1: i32, %arg2: memref<6400x128xi32, #tpu.memory_space<hbm>>, %arg3: memref<1000000x128xf32, #tpu.memory_space<hbm>>, %arg4: memref<819200x128xf32, #tpu.memory_space<hbm>>, %arg5: memref<200x128xi32, #tpu.memory_space<vmem>>, %arg6: memref<4x128x128xf32, #tpu.memory_space<vmem>>, %arg7: memref<4x!tpu.dma_semaphore, #tpu.memory_space<semaphore_mem>>, %arg8: memref<4x!tpu.dma_semaphore, #tpu.memory_space<semaphore_mem>>) attributes {dimension_semantics = [#tpu.dimension_semantics<core_parallel>, #tpu.dimension_semantics<subcore_parallel>], iteration_bounds = array<i64: 2, 16>, scalar_prefetch = 0 : i64, scratch_operands = 4 : i64, tpu.core_type = #tpu.core_type<sc_vector_subcore>, window_params = [{transform_indices = #map}, {transform_indices = #map}, {transform_indices = #map}]} {
    %mul3A = arith.constant 2 : i32
    %mul3A_0 = arith.muli %arg1, %mul3A : i32
    %add3A = arith.addi %mul3A_0, %arg0 : i32
    %mul3A_1 = arith.constant 200 : i32
    %mul3A_2 = arith.muli %add3A, %mul3A_1 : i32
    "tpu.region"() ({
      %run_scoped3A = tpu.sem_alloc : memref<!tpu.dma_semaphore, #tpu.memory_space<semaphore_mem>>
      %dma_start3A_604 = arith.constant 0 : i32
      %dma_start3A_605 = tpu.memref_slice %arg2[%mul3A_2, %dma_start3A_604] : memref<6400x128xi32, #tpu.memory_space<hbm>> -> memref<200x128xi32, #tpu.memory_space<hbm>>
      %dma_start3A_606 = arith.constant 0 : i32
      %dma_start3A_607 = tpu.memref_slice %arg2[%mul3A_2, %dma_start3A_606] : memref<6400x128xi32, #tpu.memory_space<hbm>> -> memref<200x128xi32, #tpu.memory_space<hbm>>
      tpu.enqueue_dma source(%dma_start3A_607 : memref<200x128xi32, #tpu.memory_space<hbm>>) target(%arg5 : memref<200x128xi32, #tpu.memory_space<vmem>>) target_semaphore(%run_scoped3A : memref<!tpu.dma_semaphore, #tpu.memory_space<semaphore_mem>>)
      %dma_wait3A_608 = arith.constant 0 : i32
      %dma_wait3A_609 = tpu.memref_slice %arg2[%mul3A_2, %dma_wait3A_608] : memref<6400x128xi32, #tpu.memory_space<hbm>> -> memref<200x128xi32, #tpu.memory_space<hbm>>
      %dma_wait3A_610 = arith.constant 0 : i32
      %dma_wait3A_611 = tpu.memref_slice %arg2[%mul3A_2, %dma_wait3A_610] : memref<6400x128xi32, #tpu.memory_space<hbm>> -> memref<200x128xi32, #tpu.memory_space<hbm>>
      tpu.wait_dma2 semaphore(%run_scoped3A : memref<!tpu.dma_semaphore, #tpu.memory_space<semaphore_mem>>) src(%dma_wait3A_611 : memref<200x128xi32, #tpu.memory_space<hbm>>) dst(%arg5 : memref<200x128xi32, #tpu.memory_space<vmem>>)
      tpu.yield
    }) : () -> ()
    %dma_start3A = arith.constant 0 : i32
    %dma_start3A_3 = arith.constant 0 : i32
    %dma_start3A_4 = arith.constant 0 : i32
    %dma_start3A_5 = arith.constant 0 : i32
    %dma_start3A_6 = arith.constant 0 : i32
    %dma_start3A_7 = tpu.memref_slice %arg6[%dma_start3A_3, %dma_start3A_5, %dma_start3A_6] : memref<4x128x128xf32, #tpu.memory_space<vmem>> -> memref<1x128x128xf32, #tpu.memory_space<vmem>>
    %dma_start3A_8 = tpu.memref_squeeze %dma_start3A_7 : memref<1x128x128xf32, #tpu.memory_space<vmem>> -> memref<128x128xf32, #tpu.memory_space<vmem>>
    %dma_start3A_9 = arith.constant 0 : i32
    %dma_start3A_10 = tpu.memref_slice %arg5[%dma_start3A, %dma_start3A_9] : memref<200x128xi32, #tpu.memory_space<vmem>> -> memref<1x128xi32, #tpu.memory_space<vmem>>
    %dma_start3A_11 = tpu.memref_squeeze %dma_start3A_10 : memref<1x128xi32, #tpu.memory_space<vmem>> -> memref<128xi32, #tpu.memory_space<vmem>>
    %dma_start3A_12 = arith.constant 0 : i32
    %dma_start3A_13 = arith.constant 0 : i32
    %dma_start3A_14 = tpu.memref_slice %arg3[%dma_start3A_12, %dma_start3A_13] : memref<1000000x128xf32, #tpu.memory_space<hbm>> -> memref<1000000x128xf32, #tpu.memory_space<hbm>>
    %dma_start3A_15 = tpu.memref_slice %arg7[%dma_start3A_4] : memref<4x!tpu.dma_semaphore, #tpu.memory_space<semaphore_mem>> -> memref<1x!tpu.dma_semaphore, #tpu.memory_space<semaphore_mem>>
    %dma_start3A_16 = tpu.memref_squeeze %dma_start3A_15 : memref<1x!tpu.dma_semaphore, #tpu.memory_space<semaphore_mem>> -> memref<!tpu.dma_semaphore, #tpu.memory_space<semaphore_mem>>
    tpu.enqueue_indirect_dma source(%dma_start3A_14 : memref<1000000x128xf32, #tpu.memory_space<hbm>>) target(%dma_start3A_8 : memref<128x128xf32, #tpu.memory_space<vmem>>) offsets(%dma_start3A_11 : memref<128xi32, #tpu.memory_space<vmem>>) semaphore(%dma_start3A_16 : memref<!tpu.dma_semaphore, #tpu.memory_space<semaphore_mem>>)
    %dma_start3A_17 = arith.constant 1 : i32
    %dma_start3A_18 = arith.constant 1 : i32
    %dma_start3A_19 = arith.constant 1 : i32
    %dma_start3A_20 = arith.constant 0 : i32
    %dma_start3A_21 = arith.constant 0 : i32
    %dma_start3A_22 = tpu.memref_slice %arg6[%dma_start3A_18, %dma_start3A_20, %dma_start3A_21] : memref<4x128x128xf32, #tpu.memory_space<vmem>> -> memref<1x128x128xf32, #tpu.memory_space<vmem>>
    %dma_start3A_23 = tpu.memref_squeeze %dma_start3A_22 : memref<1x128x128xf32, #tpu.memory_space<vmem>> -> memref<128x128xf32, #tpu.memory_space<vmem>>
    %dma_start3A_24 = arith.constant 0 : i32
    %dma_start3A_25 = tpu.memref_slice %arg5[%dma_start3A_17, %dma_start3A_24] : memref<200x128xi32, #tpu.memory_space<vmem>> -> memref<1x128xi32, #tpu.memory_space<vmem>>
    %dma_start3A_26 = tpu.memref_squeeze %dma_start3A_25 : memref<1x128xi32, #tpu.memory_space<vmem>> -> memref<128xi32, #tpu.memory_space<vmem>>
    %dma_start3A_27 = arith.constant 0 : i32
    %dma_start3A_28 = arith.constant 0 : i32
    %dma_start3A_29 = tpu.memref_slice %arg3[%dma_start3A_27, %dma_start3A_28] : memref<1000000x128xf32, #tpu.memory_space<hbm>> -> memref<1000000x128xf32, #tpu.memory_space<hbm>>
    %dma_start3A_30 = tpu.memref_slice %arg7[%dma_start3A_19] : memref<4x!tpu.dma_semaphore, #tpu.memory_space<semaphore_mem>> -> memref<1x!tpu.dma_semaphore, #tpu.memory_space<semaphore_mem>>
    %dma_start3A_31 = tpu.memref_squeeze %dma_start3A_30 : memref<1x!tpu.dma_semaphore, #tpu.memory_space<semaphore_mem>> -> memref<!tpu.dma_semaphore, #tpu.memory_space<semaphore_mem>>
    tpu.enqueue_indirect_dma source(%dma_start3A_29 : memref<1000000x128xf32, #tpu.memory_space<hbm>>) target(%dma_start3A_23 : memref<128x128xf32, #tpu.memory_space<vmem>>) offsets(%dma_start3A_26 : memref<128xi32, #tpu.memory_space<vmem>>) semaphore(%dma_start3A_31 : memref<!tpu.dma_semaphore, #tpu.memory_space<semaphore_mem>>)
    %dma_start3A_32 = arith.constant 2 : i32
    %dma_start3A_33 = arith.constant 2 : i32
    %dma_start3A_34 = arith.constant 2 : i32
    %dma_start3A_35 = arith.constant 0 : i32
    %dma_start3A_36 = arith.constant 0 : i32
    %dma_start3A_37 = tpu.memref_slice %arg6[%dma_start3A_33, %dma_start3A_35, %dma_start3A_36] : memref<4x128x128xf32, #tpu.memory_space<vmem>> -> memref<1x128x128xf32, #tpu.memory_space<vmem>>
    %dma_start3A_38 = tpu.memref_squeeze %dma_start3A_37 : memref<1x128x128xf32, #tpu.memory_space<vmem>> -> memref<128x128xf32, #tpu.memory_space<vmem>>
    %dma_start3A_39 = arith.constant 0 : i32
    %dma_start3A_40 = tpu.memref_slice %arg5[%dma_start3A_32, %dma_start3A_39] : memref<200x128xi32, #tpu.memory_space<vmem>> -> memref<1x128xi32, #tpu.memory_space<vmem>>
    %dma_start3A_41 = tpu.memref_squeeze %dma_start3A_40 : memref<1x128xi32, #tpu.memory_space<vmem>> -> memref<128xi32, #tpu.memory_space<vmem>>
    %dma_start3A_42 = arith.constant 0 : i32
    %dma_start3A_43 = arith.constant 0 : i32
    %dma_start3A_44 = tpu.memref_slice %arg3[%dma_start3A_42, %dma_start3A_43] : memref<1000000x128xf32, #tpu.memory_space<hbm>> -> memref<1000000x128xf32, #tpu.memory_space<hbm>>
    %dma_start3A_45 = tpu.memref_slice %arg7[%dma_start3A_34] : memref<4x!tpu.dma_semaphore, #tpu.memory_space<semaphore_mem>> -> memref<1x!tpu.dma_semaphore, #tpu.memory_space<semaphore_mem>>
    %dma_start3A_46 = tpu.memref_squeeze %dma_start3A_45 : memref<1x!tpu.dma_semaphore, #tpu.memory_space<semaphore_mem>> -> memref<!tpu.dma_semaphore, #tpu.memory_space<semaphore_mem>>
    tpu.enqueue_indirect_dma source(%dma_start3A_44 : memref<1000000x128xf32, #tpu.memory_space<hbm>>) target(%dma_start3A_38 : memref<128x128xf32, #tpu.memory_space<vmem>>) offsets(%dma_start3A_41 : memref<128xi32, #tpu.memory_space<vmem>>) semaphore(%dma_start3A_46 : memref<!tpu.dma_semaphore, #tpu.memory_space<semaphore_mem>>)
    %dma_start3A_47 = arith.constant 3 : i32
    %dma_start3A_48 = arith.constant 3 : i32
    %dma_start3A_49 = arith.constant 3 : i32
    %dma_start3A_50 = arith.constant 0 : i32
    %dma_start3A_51 = arith.constant 0 : i32
    %dma_start3A_52 = tpu.memref_slice %arg6[%dma_start3A_48, %dma_start3A_50, %dma_start3A_51] : memref<4x128x128xf32, #tpu.memory_space<vmem>> -> memref<1x128x128xf32, #tpu.memory_space<vmem>>
    %dma_start3A_53 = tpu.memref_squeeze %dma_start3A_52 : memref<1x128x128xf32, #tpu.memory_space<vmem>> -> memref<128x128xf32, #tpu.memory_space<vmem>>
    %dma_start3A_54 = arith.constant 0 : i32
    %dma_start3A_55 = tpu.memref_slice %arg5[%dma_start3A_47, %dma_start3A_54] : memref<200x128xi32, #tpu.memory_space<vmem>> -> memref<1x128xi32, #tpu.memory_space<vmem>>
    %dma_start3A_56 = tpu.memref_squeeze %dma_start3A_55 : memref<1x128xi32, #tpu.memory_space<vmem>> -> memref<128xi32, #tpu.memory_space<vmem>>
    %dma_start3A_57 = arith.constant 0 : i32
    %dma_start3A_58 = arith.constant 0 : i32
    %dma_start3A_59 = tpu.memref_slice %arg3[%dma_start3A_57, %dma_start3A_58] : memref<1000000x128xf32, #tpu.memory_space<hbm>> -> memref<1000000x128xf32, #tpu.memory_space<hbm>>
    %dma_start3A_60 = tpu.memref_slice %arg7[%dma_start3A_49] : memref<4x!tpu.dma_semaphore, #tpu.memory_space<semaphore_mem>> -> memref<1x!tpu.dma_semaphore, #tpu.memory_space<semaphore_mem>>
    %dma_start3A_61 = tpu.memref_squeeze %dma_start3A_60 : memref<1x!tpu.dma_semaphore, #tpu.memory_space<semaphore_mem>> -> memref<!tpu.dma_semaphore, #tpu.memory_space<semaphore_mem>>
    tpu.enqueue_indirect_dma source(%dma_start3A_59 : memref<1000000x128xf32, #tpu.memory_space<hbm>>) target(%dma_start3A_53 : memref<128x128xf32, #tpu.memory_space<vmem>>) offsets(%dma_start3A_56 : memref<128xi32, #tpu.memory_space<vmem>>) semaphore(%dma_start3A_61 : memref<!tpu.dma_semaphore, #tpu.memory_space<semaphore_mem>>)
    %scan3A = arith.constant 0 : i32
    %scan3A_62 = arith.constant 0 : i32
    %scan3A_63 = arith.constant 49 : i32
    %scan3A_64 = arith.addi %scan3A_62, %scan3A_63 : i32
    %scan3A_65 = arith.constant 1 : i32
    scf.for %scan3A_604 = %scan3A_62 to %scan3A_64 step %scan3A_65  : i32 {
      %mul3A_605 = arith.constant 4 : i32
      %mul3A_606 = arith.muli %scan3A_604, %mul3A_605 : i32
      %add3A_607 = arith.constant 0 : i32
      %add3A_608 = arith.addi %mul3A_606, %add3A_607 : i32
      %dma_wait3A_609 = arith.constant 0 : i32
      %dma_wait3A_610 = arith.constant 0 : i32
      %dma_wait3A_611 = arith.constant 0 : i32
      %dma_wait3A_612 = arith.constant 0 : i32
      %dma_wait3A_613 = tpu.memref_slice %arg6[%dma_wait3A_609, %dma_wait3A_611, %dma_wait3A_612] : memref<4x128x128xf32, #tpu.memory_space<vmem>> -> memref<1x128x128xf32, #tpu.memory_space<vmem>>
      %dma_wait3A_614 = tpu.memref_squeeze %dma_wait3A_613 : memref<1x128x128xf32, #tpu.memory_space<vmem>> -> memref<128x128xf32, #tpu.memory_space<vmem>>
      %dma_wait3A_615 = arith.constant 0 : i32
      %dma_wait3A_616 = tpu.memref_slice %arg5[%add3A_608, %dma_wait3A_615] : memref<200x128xi32, #tpu.memory_space<vmem>> -> memref<1x128xi32, #tpu.memory_space<vmem>>
      %dma_wait3A_617 = tpu.memref_squeeze %dma_wait3A_616 : memref<1x128xi32, #tpu.memory_space<vmem>> -> memref<128xi32, #tpu.memory_space<vmem>>
      %dma_wait3A_618 = arith.constant 0 : i32
      %dma_wait3A_619 = arith.constant 0 : i32
      %dma_wait3A_620 = tpu.memref_slice %arg3[%dma_wait3A_618, %dma_wait3A_619] : memref<1000000x128xf32, #tpu.memory_space<hbm>> -> memref<1000000x128xf32, #tpu.memory_space<hbm>>
      %dma_wait3A_621 = tpu.memref_slice %arg7[%dma_wait3A_610] : memref<4x!tpu.dma_semaphore, #tpu.memory_space<semaphore_mem>> -> memref<1x!tpu.dma_semaphore, #tpu.memory_space<semaphore_mem>>
      %dma_wait3A_622 = tpu.memref_squeeze %dma_wait3A_621 : memref<1x!tpu.dma_semaphore, #tpu.memory_space<semaphore_mem>> -> memref<!tpu.dma_semaphore, #tpu.memory_space<semaphore_mem>>
      tpu.wait_indirect_dma semaphore(%dma_wait3A_622 : memref<!tpu.dma_semaphore, #tpu.memory_space<semaphore_mem>>) src(%dma_wait3A_620 : memref<1000000x128xf32, #tpu.memory_space<hbm>>) dst(%dma_wait3A_614 : memref<128x128xf32, #tpu.memory_space<vmem>>)
      %add3A_623 = arith.addi %mul3A_2, %add3A_608 : i32
      %jit3A_624 = arith.constant 256 : i32
      %div3A_625 = arith.divsi %add3A_623, %jit3A_624 : i32
      %sign3A_626 = arith.constant 0 : i32
      %sign3A_627 = arith.cmpi sgt, %add3A_623, %sign3A_626 : i32
      %sign3A_628 = arith.extui %sign3A_627 : i1 to i32
      %sign3A_629 = arith.constant 0 : i32
      %sign3A_630 = arith.cmpi slt, %add3A_623, %sign3A_629 : i32
      %sign3A_631 = arith.extui %sign3A_630 : i1 to i32
      %sign3A_632 = arith.subi %sign3A_628, %sign3A_631 : i32
      %sign3A_633 = arith.constant 0 : i32
      %sign3A_634 = arith.cmpi sgt, %jit3A_624, %sign3A_633 : i32
      %sign3A_635 = arith.extui %sign3A_634 : i1 to i32
      %sign3A_636 = arith.constant 0 : i32
      %sign3A_637 = arith.cmpi slt, %jit3A_624, %sign3A_636 : i32
      %sign3A_638 = arith.extui %sign3A_637 : i1 to i32
      %sign3A_639 = arith.subi %sign3A_635, %sign3A_638 : i32
      %ne3A_640 = arith.cmpi ne, %sign3A_632, %sign3A_639 : i32
      %rem3A_641 = arith.remsi %add3A_623, %jit3A_624 : i32
      %ne3A_642 = arith.constant 0 : i32
      %ne3A_643 = arith.cmpi ne, %rem3A_641, %ne3A_642 : i32
      %and3A_644 = arith.andi %ne3A_640, %ne3A_643 : i1
      %sub3A_645 = arith.constant 1 : i32
      %sub3A_646 = arith.subi %div3A_625, %sub3A_645 : i32
      %select_n3A_647 = arith.select %and3A_644, %sub3A_646, %div3A_625 : i32
      %mul3A_648 = arith.constant 8 : i32
      %mul3A_649 = arith.muli %select_n3A_647, %mul3A_648 : i32
      %jit3A_650 = arith.constant 8 : i32
      %eq3A_651 = arith.constant 0 : i32
      %eq3A_652 = arith.cmpi eq, %jit3A_650, %eq3A_651 : i32
      %jit3A_653 = arith.constant 1 : i32
      %select_n3A_654 = arith.select %eq3A_652, %jit3A_653, %jit3A_650 : i32
      %rem3A_655 = arith.remsi %add3A_623, %select_n3A_654 : i32
      %ne3A_656 = arith.constant 0 : i32
      %ne3A_657 = arith.cmpi ne, %rem3A_655, %ne3A_656 : i32
      %lt3A_658 = arith.constant 0 : i32
      %lt3A_659 = arith.cmpi slt, %rem3A_655, %lt3A_658 : i32
      %lt3A_660 = arith.constant 0 : i32
      %lt3A_661 = arith.cmpi slt, %select_n3A_654, %lt3A_660 : i32
      %ne3A_662 = arith.xori %lt3A_659, %lt3A_661 : i1
      %and3A_663 = arith.andi %ne3A_662, %ne3A_657 : i1
      %add3A_664 = arith.addi %rem3A_655, %select_n3A_654 : i32
      %select_n3A_665 = arith.select %and3A_663, %add3A_664, %rem3A_655 : i32
      %add3A_666 = arith.addi %mul3A_649, %select_n3A_665 : i32
      %jit3A_667 = arith.constant 8 : i32
      %div3A_668 = arith.divsi %add3A_623, %jit3A_667 : i32
      %sign3A_669 = arith.constant 0 : i32
      %sign3A_670 = arith.cmpi sgt, %add3A_623, %sign3A_669 : i32
      %sign3A_671 = arith.extui %sign3A_670 : i1 to i32
      %sign3A_672 = arith.constant 0 : i32
      %sign3A_673 = arith.cmpi slt, %add3A_623, %sign3A_672 : i32
      %sign3A_674 = arith.extui %sign3A_673 : i1 to i32
      %sign3A_675 = arith.subi %sign3A_671, %sign3A_674 : i32
      %sign3A_676 = arith.constant 0 : i32
      %sign3A_677 = arith.cmpi sgt, %jit3A_667, %sign3A_676 : i32
      %sign3A_678 = arith.extui %sign3A_677 : i1 to i32
      %sign3A_679 = arith.constant 0 : i32
      %sign3A_680 = arith.cmpi slt, %jit3A_667, %sign3A_679 : i32
      %sign3A_681 = arith.extui %sign3A_680 : i1 to i32
      %sign3A_682 = arith.subi %sign3A_678, %sign3A_681 : i32
      %ne3A_683 = arith.cmpi ne, %sign3A_675, %sign3A_682 : i32
      %rem3A_684 = arith.remsi %add3A_623, %jit3A_667 : i32
      %ne3A_685 = arith.constant 0 : i32
      %ne3A_686 = arith.cmpi ne, %rem3A_684, %ne3A_685 : i32
      %and3A_687 = arith.andi %ne3A_683, %ne3A_686 : i1
      %sub3A_688 = arith.constant 1 : i32
      %sub3A_689 = arith.subi %div3A_668, %sub3A_688 : i32
      %select_n3A_690 = arith.select %and3A_687, %sub3A_689, %div3A_668 : i32
      %jit3A_691 = arith.constant 32 : i32
      %eq3A_692 = arith.constant 0 : i32
      %eq3A_693 = arith.cmpi eq, %jit3A_691, %eq3A_692 : i32
      %jit3A_694 = arith.constant 1 : i32
      %select_n3A_695 = arith.select %eq3A_693, %jit3A_694, %jit3A_691 : i32
      %rem3A_696 = arith.remsi %select_n3A_690, %select_n3A_695 : i32
      %ne3A_697 = arith.constant 0 : i32
      %ne3A_698 = arith.cmpi ne, %rem3A_696, %ne3A_697 : i32
      %lt3A_699 = arith.constant 0 : i32
      %lt3A_700 = arith.cmpi slt, %rem3A_696, %lt3A_699 : i32
      %lt3A_701 = arith.constant 0 : i32
      %lt3A_702 = arith.cmpi slt, %select_n3A_695, %lt3A_701 : i32
      %ne3A_703 = arith.xori %lt3A_700, %lt3A_702 : i1
      %and3A_704 = arith.andi %ne3A_703, %ne3A_698 : i1
      %add3A_705 = arith.addi %rem3A_696, %select_n3A_695 : i32
      %select_n3A_706 = arith.select %and3A_704, %add3A_705, %rem3A_696 : i32
      %mul3A_707 = arith.constant 32 : i32
      %mul3A_708 = arith.muli %add3A_666, %mul3A_707 : i32
      %add3A_709 = arith.addi %mul3A_708, %select_n3A_706 : i32
      %mul3A_710 = arith.constant 128 : i32
      %mul3A_711 = arith.muli %add3A_709, %mul3A_710 : i32
      %dma_start3A_712 = arith.constant 0 : i32
      %dma_start3A_713 = arith.constant 0 : i32
      %dma_start3A_714 = arith.constant 0 : i32
      %dma_start3A_715 = arith.constant 0 : i32
      %dma_start3A_716 = tpu.memref_slice %arg6[%dma_start3A_712, %dma_start3A_714, %dma_start3A_715] : memref<4x128x128xf32, #tpu.memory_space<vmem>> -> memref<1x128x128xf32, #tpu.memory_space<vmem>>
      %dma_start3A_717 = tpu.memref_squeeze %dma_start3A_716 : memref<1x128x128xf32, #tpu.memory_space<vmem>> -> memref<128x128xf32, #tpu.memory_space<vmem>>
      %dma_start3A_718 = arith.constant 0 : i32
      %dma_start3A_719 = tpu.memref_slice %arg4[%mul3A_711, %dma_start3A_718] : memref<819200x128xf32, #tpu.memory_space<hbm>> -> memref<128x128xf32, #tpu.memory_space<hbm>>
      %dma_start3A_720 = tpu.memref_slice %arg8[%dma_start3A_713] : memref<4x!tpu.dma_semaphore, #tpu.memory_space<semaphore_mem>> -> memref<1x!tpu.dma_semaphore, #tpu.memory_space<semaphore_mem>>
      %dma_start3A_721 = tpu.memref_squeeze %dma_start3A_720 : memref<1x!tpu.dma_semaphore, #tpu.memory_space<semaphore_mem>> -> memref<!tpu.dma_semaphore, #tpu.memory_space<semaphore_mem>>
      %dma_start3A_722 = arith.constant 0 : i32
      %dma_start3A_723 = tpu.memref_slice %arg4[%mul3A_711, %dma_start3A_722] : memref<819200x128xf32, #tpu.memory_space<hbm>> -> memref<128x128xf32, #tpu.memory_space<hbm>>
      %dma_start3A_724 = arith.constant 0 : i32
      %dma_start3A_725 = arith.constant 0 : i32
      %dma_start3A_726 = tpu.memref_slice %arg6[%dma_start3A_712, %dma_start3A_724, %dma_start3A_725] : memref<4x128x128xf32, #tpu.memory_space<vmem>> -> memref<1x128x128xf32, #tpu.memory_space<vmem>>
      %dma_start3A_727 = tpu.memref_squeeze %dma_start3A_726 : memref<1x128x128xf32, #tpu.memory_space<vmem>> -> memref<128x128xf32, #tpu.memory_space<vmem>>
      tpu.enqueue_dma source(%dma_start3A_727 : memref<128x128xf32, #tpu.memory_space<vmem>>) target(%dma_start3A_723 : memref<128x128xf32, #tpu.memory_space<hbm>>) target_semaphore(%dma_start3A_721 : memref<!tpu.dma_semaphore, #tpu.memory_space<semaphore_mem>>)
      %dma_wait3A_728 = arith.constant 0 : i32
      %dma_wait3A_729 = arith.constant 0 : i32
      %dma_wait3A_730 = arith.constant 0 : i32
      %dma_wait3A_731 = arith.constant 0 : i32
      %dma_wait3A_732 = tpu.memref_slice %arg6[%dma_wait3A_728, %dma_wait3A_730, %dma_wait3A_731] : memref<4x128x128xf32, #tpu.memory_space<vmem>> -> memref<1x128x128xf32, #tpu.memory_space<vmem>>
      %dma_wait3A_733 = tpu.memref_squeeze %dma_wait3A_732 : memref<1x128x128xf32, #tpu.memory_space<vmem>> -> memref<128x128xf32, #tpu.memory_space<vmem>>
      %dma_wait3A_734 = arith.constant 0 : i32
      %dma_wait3A_735 = tpu.memref_slice %arg4[%mul3A_711, %dma_wait3A_734] : memref<819200x128xf32, #tpu.memory_space<hbm>> -> memref<128x128xf32, #tpu.memory_space<hbm>>
      %dma_wait3A_736 = tpu.memref_slice %arg8[%dma_wait3A_729] : memref<4x!tpu.dma_semaphore, #tpu.memory_space<semaphore_mem>> -> memref<1x!tpu.dma_semaphore, #tpu.memory_space<semaphore_mem>>
      %dma_wait3A_737 = tpu.memref_squeeze %dma_wait3A_736 : memref<1x!tpu.dma_semaphore, #tpu.memory_space<semaphore_mem>> -> memref<!tpu.dma_semaphore, #tpu.memory_space<semaphore_mem>>
      %dma_wait3A_738 = arith.constant 0 : i32
      %dma_wait3A_739 = tpu.memref_slice %arg4[%mul3A_711, %dma_wait3A_738] : memref<819200x128xf32, #tpu.memory_space<hbm>> -> memref<128x128xf32, #tpu.memory_space<hbm>>
      %dma_wait3A_740 = arith.constant 0 : i32
      %dma_wait3A_741 = arith.constant 0 : i32
      %dma_wait3A_742 = tpu.memref_slice %arg6[%dma_wait3A_728, %dma_wait3A_740, %dma_wait3A_741] : memref<4x128x128xf32, #tpu.memory_space<vmem>> -> memref<1x128x128xf32, #tpu.memory_space<vmem>>
      %dma_wait3A_743 = tpu.memref_squeeze %dma_wait3A_742 : memref<1x128x128xf32, #tpu.memory_space<vmem>> -> memref<128x128xf32, #tpu.memory_space<vmem>>
      tpu.wait_dma2 semaphore(%dma_wait3A_737 : memref<!tpu.dma_semaphore, #tpu.memory_space<semaphore_mem>>) src(%dma_wait3A_743 : memref<128x128xf32, #tpu.memory_space<vmem>>) dst(%dma_wait3A_739 : memref<128x128xf32, #tpu.memory_space<hbm>>)
      %add3A_744 = arith.constant 4 : i32
      %add3A_745 = arith.addi %add3A_608, %add3A_744 : i32
      %dma_start3A_746 = arith.constant 0 : i32
      %dma_start3A_747 = arith.constant 0 : i32
      %dma_start3A_748 = arith.constant 0 : i32
      %dma_start3A_749 = arith.constant 0 : i32
      %dma_start3A_750 = tpu.memref_slice %arg6[%dma_start3A_746, %dma_start3A_748, %dma_start3A_749] : memref<4x128x128xf32, #tpu.memory_space<vmem>> -> memref<1x128x128xf32, #tpu.memory_space<vmem>>
      %dma_start3A_751 = tpu.memref_squeeze %dma_start3A_750 : memref<1x128x128xf32, #tpu.memory_space<vmem>> -> memref<128x128xf32, #tpu.memory_space<vmem>>
      %dma_start3A_752 = arith.constant 0 : i32
      %dma_start3A_753 = tpu.memref_slice %arg5[%add3A_745, %dma_start3A_752] : memref<200x128xi32, #tpu.memory_space<vmem>> -> memref<1x128xi32, #tpu.memory_space<vmem>>
      %dma_start3A_754 = tpu.memref_squeeze %dma_start3A_753 : memref<1x128xi32, #tpu.memory_space<vmem>> -> memref<128xi32, #tpu.memory_space<vmem>>
      %dma_start3A_755 = arith.constant 0 : i32
      %dma_start3A_756 = arith.constant 0 : i32
      %dma_start3A_757 = tpu.memref_slice %arg3[%dma_start3A_755, %dma_start3A_756] : memref<1000000x128xf32, #tpu.memory_space<hbm>> -> memref<1000000x128xf32, #tpu.memory_space<hbm>>
      %dma_start3A_758 = tpu.memref_slice %arg7[%dma_start3A_747] : memref<4x!tpu.dma_semaphore, #tpu.memory_space<semaphore_mem>> -> memref<1x!tpu.dma_semaphore, #tpu.memory_space<semaphore_mem>>
      %dma_start3A_759 = tpu.memref_squeeze %dma_start3A_758 : memref<1x!tpu.dma_semaphore, #tpu.memory_space<semaphore_mem>> -> memref<!tpu.dma_semaphore, #tpu.memory_space<semaphore_mem>>
      tpu.enqueue_indirect_dma source(%dma_start3A_757 : memref<1000000x128xf32, #tpu.memory_space<hbm>>) target(%dma_start3A_751 : memref<128x128xf32, #tpu.memory_space<vmem>>) offsets(%dma_start3A_754 : memref<128xi32, #tpu.memory_space<vmem>>) semaphore(%dma_start3A_759 : memref<!tpu.dma_semaphore, #tpu.memory_space<semaphore_mem>>)
      %mul3A_760 = arith.constant 4 : i32
      %mul3A_761 = arith.muli %scan3A_604, %mul3A_760 : i32
      %add3A_762 = arith.constant 1 : i32
      %add3A_763 = arith.addi %mul3A_761, %add3A_762 : i32
      %dma_wait3A_764 = arith.constant 1 : i32
      %dma_wait3A_765 = arith.constant 1 : i32
      %dma_wait3A_766 = arith.constant 0 : i32
      %dma_wait3A_767 = arith.constant 0 : i32
      %dma_wait3A_768 = tpu.memref_slice %arg6[%dma_wait3A_764, %dma_wait3A_766, %dma_wait3A_767] : memref<4x128x128xf32, #tpu.memory_space<vmem>> -> memref<1x128x128xf32, #tpu.memory_space<vmem>>
      %dma_wait3A_769 = tpu.memref_squeeze %dma_wait3A_768 : memref<1x128x128xf32, #tpu.memory_space<vmem>> -> memref<128x128xf32, #tpu.memory_space<vmem>>
      %dma_wait3A_770 = arith.constant 0 : i32
      %dma_wait3A_771 = tpu.memref_slice %arg5[%add3A_763, %dma_wait3A_770] : memref<200x128xi32, #tpu.memory_space<vmem>> -> memref<1x128xi32, #tpu.memory_space<vmem>>
      %dma_wait3A_772 = tpu.memref_squeeze %dma_wait3A_771 : memref<1x128xi32, #tpu.memory_space<vmem>> -> memref<128xi32, #tpu.memory_space<vmem>>
      %dma_wait3A_773 = arith.constant 0 : i32
      %dma_wait3A_774 = arith.constant 0 : i32
      %dma_wait3A_775 = tpu.memref_slice %arg3[%dma_wait3A_773, %dma_wait3A_774] : memref<1000000x128xf32, #tpu.memory_space<hbm>> -> memref<1000000x128xf32, #tpu.memory_space<hbm>>
      %dma_wait3A_776 = tpu.memref_slice %arg7[%dma_wait3A_765] : memref<4x!tpu.dma_semaphore, #tpu.memory_space<semaphore_mem>> -> memref<1x!tpu.dma_semaphore, #tpu.memory_space<semaphore_mem>>
      %dma_wait3A_777 = tpu.memref_squeeze %dma_wait3A_776 : memref<1x!tpu.dma_semaphore, #tpu.memory_space<semaphore_mem>> -> memref<!tpu.dma_semaphore, #tpu.memory_space<semaphore_mem>>
      tpu.wait_indirect_dma semaphore(%dma_wait3A_777 : memref<!tpu.dma_semaphore, #tpu.memory_space<semaphore_mem>>) src(%dma_wait3A_775 : memref<1000000x128xf32, #tpu.memory_space<hbm>>) dst(%dma_wait3A_769 : memref<128x128xf32, #tpu.memory_space<vmem>>)
      %add3A_778 = arith.addi %mul3A_2, %add3A_763 : i32
      %jit3A_779 = arith.constant 256 : i32
      %div3A_780 = arith.divsi %add3A_778, %jit3A_779 : i32
      %sign3A_781 = arith.constant 0 : i32
      %sign3A_782 = arith.cmpi sgt, %add3A_778, %sign3A_781 : i32
      %sign3A_783 = arith.extui %sign3A_782 : i1 to i32
      %sign3A_784 = arith.constant 0 : i32
      %sign3A_785 = arith.cmpi slt, %add3A_778, %sign3A_784 : i32
      %sign3A_786 = arith.extui %sign3A_785 : i1 to i32
      %sign3A_787 = arith.subi %sign3A_783, %sign3A_786 : i32
      %sign3A_788 = arith.constant 0 : i32
      %sign3A_789 = arith.cmpi sgt, %jit3A_779, %sign3A_788 : i32
      %sign3A_790 = arith.extui %sign3A_789 : i1 to i32
      %sign3A_791 = arith.constant 0 : i32
      %sign3A_792 = arith.cmpi slt, %jit3A_779, %sign3A_791 : i32
      %sign3A_793 = arith.extui %sign3A_792 : i1 to i32
      %sign3A_794 = arith.subi %sign3A_790, %sign3A_793 : i32
      %ne3A_795 = arith.cmpi ne, %sign3A_787, %sign3A_794 : i32
      %rem3A_796 = arith.remsi %add3A_778, %jit3A_779 : i32
      %ne3A_797 = arith.constant 0 : i32
      %ne3A_798 = arith.cmpi ne, %rem3A_796, %ne3A_797 : i32
      %and3A_799 = arith.andi %ne3A_795, %ne3A_798 : i1
      %sub3A_800 = arith.constant 1 : i32
      %sub3A_801 = arith.subi %div3A_780, %sub3A_800 : i32
      %select_n3A_802 = arith.select %and3A_799, %sub3A_801, %div3A_780 : i32
      %mul3A_803 = arith.constant 8 : i32
      %mul3A_804 = arith.muli %select_n3A_802, %mul3A_803 : i32
      %jit3A_805 = arith.constant 8 : i32
      %eq3A_806 = arith.constant 0 : i32
      %eq3A_807 = arith.cmpi eq, %jit3A_805, %eq3A_806 : i32
      %jit3A_808 = arith.constant 1 : i32
      %select_n3A_809 = arith.select %eq3A_807, %jit3A_808, %jit3A_805 : i32
      %rem3A_810 = arith.remsi %add3A_778, %select_n3A_809 : i32
      %ne3A_811 = arith.constant 0 : i32
      %ne3A_812 = arith.cmpi ne, %rem3A_810, %ne3A_811 : i32
      %lt3A_813 = arith.constant 0 : i32
      %lt3A_814 = arith.cmpi slt, %rem3A_810, %lt3A_813 : i32
      %lt3A_815 = arith.constant 0 : i32
      %lt3A_816 = arith.cmpi slt, %select_n3A_809, %lt3A_815 : i32
      %ne3A_817 = arith.xori %lt3A_814, %lt3A_816 : i1
      %and3A_818 = arith.andi %ne3A_817, %ne3A_812 : i1
      %add3A_819 = arith.addi %rem3A_810, %select_n3A_809 : i32
      %select_n3A_820 = arith.select %and3A_818, %add3A_819, %rem3A_810 : i32
      %add3A_821 = arith.addi %mul3A_804, %select_n3A_820 : i32
      %jit3A_822 = arith.constant 8 : i32
      %div3A_823 = arith.divsi %add3A_778, %jit3A_822 : i32
      %sign3A_824 = arith.constant 0 : i32
      %sign3A_825 = arith.cmpi sgt, %add3A_778, %sign3A_824 : i32
      %sign3A_826 = arith.extui %sign3A_825 : i1 to i32
      %sign3A_827 = arith.constant 0 : i32
      %sign3A_828 = arith.cmpi slt, %add3A_778, %sign3A_827 : i32
      %sign3A_829 = arith.extui %sign3A_828 : i1 to i32
      %sign3A_830 = arith.subi %sign3A_826, %sign3A_829 : i32
      %sign3A_831 = arith.constant 0 : i32
      %sign3A_832 = arith.cmpi sgt, %jit3A_822, %sign3A_831 : i32
      %sign3A_833 = arith.extui %sign3A_832 : i1 to i32
      %sign3A_834 = arith.constant 0 : i32
      %sign3A_835 = arith.cmpi slt, %jit3A_822, %sign3A_834 : i32
      %sign3A_836 = arith.extui %sign3A_835 : i1 to i32
      %sign3A_837 = arith.subi %sign3A_833, %sign3A_836 : i32
      %ne3A_838 = arith.cmpi ne, %sign3A_830, %sign3A_837 : i32
      %rem3A_839 = arith.remsi %add3A_778, %jit3A_822 : i32
      %ne3A_840 = arith.constant 0 : i32
      %ne3A_841 = arith.cmpi ne, %rem3A_839, %ne3A_840 : i32
      %and3A_842 = arith.andi %ne3A_838, %ne3A_841 : i1
      %sub3A_843 = arith.constant 1 : i32
      %sub3A_844 = arith.subi %div3A_823, %sub3A_843 : i32
      %select_n3A_845 = arith.select %and3A_842, %sub3A_844, %div3A_823 : i32
      %jit3A_846 = arith.constant 32 : i32
      %eq3A_847 = arith.constant 0 : i32
      %eq3A_848 = arith.cmpi eq, %jit3A_846, %eq3A_847 : i32
      %jit3A_849 = arith.constant 1 : i32
      %select_n3A_850 = arith.select %eq3A_848, %jit3A_849, %jit3A_846 : i32
      %rem3A_851 = arith.remsi %select_n3A_845, %select_n3A_850 : i32
      %ne3A_852 = arith.constant 0 : i32
      %ne3A_853 = arith.cmpi ne, %rem3A_851, %ne3A_852 : i32
      %lt3A_854 = arith.constant 0 : i32
      %lt3A_855 = arith.cmpi slt, %rem3A_851, %lt3A_854 : i32
      %lt3A_856 = arith.constant 0 : i32
      %lt3A_857 = arith.cmpi slt, %select_n3A_850, %lt3A_856 : i32
      %ne3A_858 = arith.xori %lt3A_855, %lt3A_857 : i1
      %and3A_859 = arith.andi %ne3A_858, %ne3A_853 : i1
      %add3A_860 = arith.addi %rem3A_851, %select_n3A_850 : i32
      %select_n3A_861 = arith.select %and3A_859, %add3A_860, %rem3A_851 : i32
      %mul3A_862 = arith.constant 32 : i32
      %mul3A_863 = arith.muli %add3A_821, %mul3A_862 : i32
      %add3A_864 = arith.addi %mul3A_863, %select_n3A_861 : i32
      %mul3A_865 = arith.constant 128 : i32
      %mul3A_866 = arith.muli %add3A_864, %mul3A_865 : i32
      %dma_start3A_867 = arith.constant 1 : i32
      %dma_start3A_868 = arith.constant 1 : i32
      %dma_start3A_869 = arith.constant 0 : i32
      %dma_start3A_870 = arith.constant 0 : i32
      %dma_start3A_871 = tpu.memref_slice %arg6[%dma_start3A_867, %dma_start3A_869, %dma_start3A_870] : memref<4x128x128xf32, #tpu.memory_space<vmem>> -> memref<1x128x128xf32, #tpu.memory_space<vmem>>
      %dma_start3A_872 = tpu.memref_squeeze %dma_start3A_871 : memref<1x128x128xf32, #tpu.memory_space<vmem>> -> memref<128x128xf32, #tpu.memory_space<vmem>>
      %dma_start3A_873 = arith.constant 0 : i32
      %dma_start3A_874 = tpu.memref_slice %arg4[%mul3A_866, %dma_start3A_873] : memref<819200x128xf32, #tpu.memory_space<hbm>> -> memref<128x128xf32, #tpu.memory_space<hbm>>
      %dma_start3A_875 = tpu.memref_slice %arg8[%dma_start3A_868] : memref<4x!tpu.dma_semaphore, #tpu.memory_space<semaphore_mem>> -> memref<1x!tpu.dma_semaphore, #tpu.memory_space<semaphore_mem>>
      %dma_start3A_876 = tpu.memref_squeeze %dma_start3A_875 : memref<1x!tpu.dma_semaphore, #tpu.memory_space<semaphore_mem>> -> memref<!tpu.dma_semaphore, #tpu.memory_space<semaphore_mem>>
      %dma_start3A_877 = arith.constant 0 : i32
      %dma_start3A_878 = tpu.memref_slice %arg4[%mul3A_866, %dma_start3A_877] : memref<819200x128xf32, #tpu.memory_space<hbm>> -> memref<128x128xf32, #tpu.memory_space<hbm>>
      %dma_start3A_879 = arith.constant 0 : i32
      %dma_start3A_880 = arith.constant 0 : i32
      %dma_start3A_881 = tpu.memref_slice %arg6[%dma_start3A_867, %dma_start3A_879, %dma_start3A_880] : memref<4x128x128xf32, #tpu.memory_space<vmem>> -> memref<1x128x128xf32, #tpu.memory_space<vmem>>
      %dma_start3A_882 = tpu.memref_squeeze %dma_start3A_881 : memref<1x128x128xf32, #tpu.memory_space<vmem>> -> memref<128x128xf32, #tpu.memory_space<vmem>>
      tpu.enqueue_dma source(%dma_start3A_882 : memref<128x128xf32, #tpu.memory_space<vmem>>) target(%dma_start3A_878 : memref<128x128xf32, #tpu.memory_space<hbm>>) target_semaphore(%dma_start3A_876 : memref<!tpu.dma_semaphore, #tpu.memory_space<semaphore_mem>>)
      %dma_wait3A_883 = arith.constant 1 : i32
      %dma_wait3A_884 = arith.constant 1 : i32
      %dma_wait3A_885 = arith.constant 0 : i32
      %dma_wait3A_886 = arith.constant 0 : i32
      %dma_wait3A_887 = tpu.memref_slice %arg6[%dma_wait3A_883, %dma_wait3A_885, %dma_wait3A_886] : memref<4x128x128xf32, #tpu.memory_space<vmem>> -> memref<1x128x128xf32, #tpu.memory_space<vmem>>
      %dma_wait3A_888 = tpu.memref_squeeze %dma_wait3A_887 : memref<1x128x128xf32, #tpu.memory_space<vmem>> -> memref<128x128xf32, #tpu.memory_space<vmem>>
      %dma_wait3A_889 = arith.constant 0 : i32
      %dma_wait3A_890 = tpu.memref_slice %arg4[%mul3A_866, %dma_wait3A_889] : memref<819200x128xf32, #tpu.memory_space<hbm>> -> memref<128x128xf32, #tpu.memory_space<hbm>>
      %dma_wait3A_891 = tpu.memref_slice %arg8[%dma_wait3A_884] : memref<4x!tpu.dma_semaphore, #tpu.memory_space<semaphore_mem>> -> memref<1x!tpu.dma_semaphore, #tpu.memory_space<semaphore_mem>>
      %dma_wait3A_892 = tpu.memref_squeeze %dma_wait3A_891 : memref<1x!tpu.dma_semaphore, #tpu.memory_space<semaphore_mem>> -> memref<!tpu.dma_semaphore, #tpu.memory_space<semaphore_mem>>
      %dma_wait3A_893 = arith.constant 0 : i32
      %dma_wait3A_894 = tpu.memref_slice %arg4[%mul3A_866, %dma_wait3A_893] : memref<819200x128xf32, #tpu.memory_space<hbm>> -> memref<128x128xf32, #tpu.memory_space<hbm>>
      %dma_wait3A_895 = arith.constant 0 : i32
      %dma_wait3A_896 = arith.constant 0 : i32
      %dma_wait3A_897 = tpu.memref_slice %arg6[%dma_wait3A_883, %dma_wait3A_895, %dma_wait3A_896] : memref<4x128x128xf32, #tpu.memory_space<vmem>> -> memref<1x128x128xf32, #tpu.memory_space<vmem>>
      %dma_wait3A_898 = tpu.memref_squeeze %dma_wait3A_897 : memref<1x128x128xf32, #tpu.memory_space<vmem>> -> memref<128x128xf32, #tpu.memory_space<vmem>>
      tpu.wait_dma2 semaphore(%dma_wait3A_892 : memref<!tpu.dma_semaphore, #tpu.memory_space<semaphore_mem>>) src(%dma_wait3A_898 : memref<128x128xf32, #tpu.memory_space<vmem>>) dst(%dma_wait3A_894 : memref<128x128xf32, #tpu.memory_space<hbm>>)
      %add3A_899 = arith.constant 4 : i32
      %add3A_900 = arith.addi %add3A_763, %add3A_899 : i32
      %dma_start3A_901 = arith.constant 1 : i32
      %dma_start3A_902 = arith.constant 1 : i32
      %dma_start3A_903 = arith.constant 0 : i32
      %dma_start3A_904 = arith.constant 0 : i32
      %dma_start3A_905 = tpu.memref_slice %arg6[%dma_start3A_901, %dma_start3A_903, %dma_start3A_904] : memref<4x128x128xf32, #tpu.memory_space<vmem>> -> memref<1x128x128xf32, #tpu.memory_space<vmem>>
      %dma_start3A_906 = tpu.memref_squeeze %dma_start3A_905 : memref<1x128x128xf32, #tpu.memory_space<vmem>> -> memref<128x128xf32, #tpu.memory_space<vmem>>
      %dma_start3A_907 = arith.constant 0 : i32
      %dma_start3A_908 = tpu.memref_slice %arg5[%add3A_900, %dma_start3A_907] : memref<200x128xi32, #tpu.memory_space<vmem>> -> memref<1x128xi32, #tpu.memory_space<vmem>>
      %dma_start3A_909 = tpu.memref_squeeze %dma_start3A_908 : memref<1x128xi32, #tpu.memory_space<vmem>> -> memref<128xi32, #tpu.memory_space<vmem>>
      %dma_start3A_910 = arith.constant 0 : i32
      %dma_start3A_911 = arith.constant 0 : i32
      %dma_start3A_912 = tpu.memref_slice %arg3[%dma_start3A_910, %dma_start3A_911] : memref<1000000x128xf32, #tpu.memory_space<hbm>> -> memref<1000000x128xf32, #tpu.memory_space<hbm>>
      %dma_start3A_913 = tpu.memref_slice %arg7[%dma_start3A_902] : memref<4x!tpu.dma_semaphore, #tpu.memory_space<semaphore_mem>> -> memref<1x!tpu.dma_semaphore, #tpu.memory_space<semaphore_mem>>
      %dma_start3A_914 = tpu.memref_squeeze %dma_start3A_913 : memref<1x!tpu.dma_semaphore, #tpu.memory_space<semaphore_mem>> -> memref<!tpu.dma_semaphore, #tpu.memory_space<semaphore_mem>>
      tpu.enqueue_indirect_dma source(%dma_start3A_912 : memref<1000000x128xf32, #tpu.memory_space<hbm>>) target(%dma_start3A_906 : memref<128x128xf32, #tpu.memory_space<vmem>>) offsets(%dma_start3A_909 : memref<128xi32, #tpu.memory_space<vmem>>) semaphore(%dma_start3A_914 : memref<!tpu.dma_semaphore, #tpu.memory_space<semaphore_mem>>)
      %mul3A_915 = arith.constant 4 : i32
      %mul3A_916 = arith.muli %scan3A_604, %mul3A_915 : i32
      %add3A_917 = arith.constant 2 : i32
      %add3A_918 = arith.addi %mul3A_916, %add3A_917 : i32
      %dma_wait3A_919 = arith.constant 2 : i32
      %dma_wait3A_920 = arith.constant 2 : i32
      %dma_wait3A_921 = arith.constant 0 : i32
      %dma_wait3A_922 = arith.constant 0 : i32
      %dma_wait3A_923 = tpu.memref_slice %arg6[%dma_wait3A_919, %dma_wait3A_921, %dma_wait3A_922] : memref<4x128x128xf32, #tpu.memory_space<vmem>> -> memref<1x128x128xf32, #tpu.memory_space<vmem>>
      %dma_wait3A_924 = tpu.memref_squeeze %dma_wait3A_923 : memref<1x128x128xf32, #tpu.memory_space<vmem>> -> memref<128x128xf32, #tpu.memory_space<vmem>>
      %dma_wait3A_925 = arith.constant 0 : i32
      %dma_wait3A_926 = tpu.memref_slice %arg5[%add3A_918, %dma_wait3A_925] : memref<200x128xi32, #tpu.memory_space<vmem>> -> memref<1x128xi32, #tpu.memory_space<vmem>>
      %dma_wait3A_927 = tpu.memref_squeeze %dma_wait3A_926 : memref<1x128xi32, #tpu.memory_space<vmem>> -> memref<128xi32, #tpu.memory_space<vmem>>
      %dma_wait3A_928 = arith.constant 0 : i32
      %dma_wait3A_929 = arith.constant 0 : i32
      %dma_wait3A_930 = tpu.memref_slice %arg3[%dma_wait3A_928, %dma_wait3A_929] : memref<1000000x128xf32, #tpu.memory_space<hbm>> -> memref<1000000x128xf32, #tpu.memory_space<hbm>>
      %dma_wait3A_931 = tpu.memref_slice %arg7[%dma_wait3A_920] : memref<4x!tpu.dma_semaphore, #tpu.memory_space<semaphore_mem>> -> memref<1x!tpu.dma_semaphore, #tpu.memory_space<semaphore_mem>>
      %dma_wait3A_932 = tpu.memref_squeeze %dma_wait3A_931 : memref<1x!tpu.dma_semaphore, #tpu.memory_space<semaphore_mem>> -> memref<!tpu.dma_semaphore, #tpu.memory_space<semaphore_mem>>
      tpu.wait_indirect_dma semaphore(%dma_wait3A_932 : memref<!tpu.dma_semaphore, #tpu.memory_space<semaphore_mem>>) src(%dma_wait3A_930 : memref<1000000x128xf32, #tpu.memory_space<hbm>>) dst(%dma_wait3A_924 : memref<128x128xf32, #tpu.memory_space<vmem>>)
      %add3A_933 = arith.addi %mul3A_2, %add3A_918 : i32
      %jit3A_934 = arith.constant 256 : i32
      %div3A_935 = arith.divsi %add3A_933, %jit3A_934 : i32
      %sign3A_936 = arith.constant 0 : i32
      %sign3A_937 = arith.cmpi sgt, %add3A_933, %sign3A_936 : i32
      %sign3A_938 = arith.extui %sign3A_937 : i1 to i32
      %sign3A_939 = arith.constant 0 : i32
      %sign3A_940 = arith.cmpi slt, %add3A_933, %sign3A_939 : i32
      %sign3A_941 = arith.extui %sign3A_940 : i1 to i32
      %sign3A_942 = arith.subi %sign3A_938, %sign3A_941 : i32
      %sign3A_943 = arith.constant 0 : i32
      %sign3A_944 = arith.cmpi sgt, %jit3A_934, %sign3A_943 : i32
      %sign3A_945 = arith.extui %sign3A_944 : i1 to i32
      %sign3A_946 = arith.constant 0 : i32
      %sign3A_947 = arith.cmpi slt, %jit3A_934, %sign3A_946 : i32
      %sign3A_948 = arith.extui %sign3A_947 : i1 to i32
      %sign3A_949 = arith.subi %sign3A_945, %sign3A_948 : i32
      %ne3A_950 = arith.cmpi ne, %sign3A_942, %sign3A_949 : i32
      %rem3A_951 = arith.remsi %add3A_933, %jit3A_934 : i32
      %ne3A_952 = arith.constant 0 : i32
      %ne3A_953 = arith.cmpi ne, %rem3A_951, %ne3A_952 : i32
      %and3A_954 = arith.andi %ne3A_950, %ne3A_953 : i1
      %sub3A_955 = arith.constant 1 : i32
      %sub3A_956 = arith.subi %div3A_935, %sub3A_955 : i32
      %select_n3A_957 = arith.select %and3A_954, %sub3A_956, %div3A_935 : i32
      %mul3A_958 = arith.constant 8 : i32
      %mul3A_959 = arith.muli %select_n3A_957, %mul3A_958 : i32
      %jit3A_960 = arith.constant 8 : i32
      %eq3A_961 = arith.constant 0 : i32
      %eq3A_962 = arith.cmpi eq, %jit3A_960, %eq3A_961 : i32
      %jit3A_963 = arith.constant 1 : i32
      %select_n3A_964 = arith.select %eq3A_962, %jit3A_963, %jit3A_960 : i32
      %rem3A_965 = arith.remsi %add3A_933, %select_n3A_964 : i32
      %ne3A_966 = arith.constant 0 : i32
      %ne3A_967 = arith.cmpi ne, %rem3A_965, %ne3A_966 : i32
      %lt3A_968 = arith.constant 0 : i32
      %lt3A_969 = arith.cmpi slt, %rem3A_965, %lt3A_968 : i32
      %lt3A_970 = arith.constant 0 : i32
      %lt3A_971 = arith.cmpi slt, %select_n3A_964, %lt3A_970 : i32
      %ne3A_972 = arith.xori %lt3A_969, %lt3A_971 : i1
      %and3A_973 = arith.andi %ne3A_972, %ne3A_967 : i1
      %add3A_974 = arith.addi %rem3A_965, %select_n3A_964 : i32
      %select_n3A_975 = arith.select %and3A_973, %add3A_974, %rem3A_965 : i32
      %add3A_976 = arith.addi %mul3A_959, %select_n3A_975 : i32
      %jit3A_977 = arith.constant 8 : i32
      %div3A_978 = arith.divsi %add3A_933, %jit3A_977 : i32
      %sign3A_979 = arith.constant 0 : i32
      %sign3A_980 = arith.cmpi sgt, %add3A_933, %sign3A_979 : i32
      %sign3A_981 = arith.extui %sign3A_980 : i1 to i32
      %sign3A_982 = arith.constant 0 : i32
      %sign3A_983 = arith.cmpi slt, %add3A_933, %sign3A_982 : i32
      %sign3A_984 = arith.extui %sign3A_983 : i1 to i32
      %sign3A_985 = arith.subi %sign3A_981, %sign3A_984 : i32
      %sign3A_986 = arith.constant 0 : i32
      %sign3A_987 = arith.cmpi sgt, %jit3A_977, %sign3A_986 : i32
      %sign3A_988 = arith.extui %sign3A_987 : i1 to i32
      %sign3A_989 = arith.constant 0 : i32
      %sign3A_990 = arith.cmpi slt, %jit3A_977, %sign3A_989 : i32
      %sign3A_991 = arith.extui %sign3A_990 : i1 to i32
      %sign3A_992 = arith.subi %sign3A_988, %sign3A_991 : i32
      %ne3A_993 = arith.cmpi ne, %sign3A_985, %sign3A_992 : i32
      %rem3A_994 = arith.remsi %add3A_933, %jit3A_977 : i32
      %ne3A_995 = arith.constant 0 : i32
      %ne3A_996 = arith.cmpi ne, %rem3A_994, %ne3A_995 : i32
      %and3A_997 = arith.andi %ne3A_993, %ne3A_996 : i1
      %sub3A_998 = arith.constant 1 : i32
      %sub3A_999 = arith.subi %div3A_978, %sub3A_998 : i32
      %select_n3A_1000 = arith.select %and3A_997, %sub3A_999, %div3A_978 : i32
      %jit3A_1001 = arith.constant 32 : i32
      %eq3A_1002 = arith.constant 0 : i32
      %eq3A_1003 = arith.cmpi eq, %jit3A_1001, %eq3A_1002 : i32
      %jit3A_1004 = arith.constant 1 : i32
      %select_n3A_1005 = arith.select %eq3A_1003, %jit3A_1004, %jit3A_1001 : i32
      %rem3A_1006 = arith.remsi %select_n3A_1000, %select_n3A_1005 : i32
      %ne3A_1007 = arith.constant 0 : i32
      %ne3A_1008 = arith.cmpi ne, %rem3A_1006, %ne3A_1007 : i32
      %lt3A_1009 = arith.constant 0 : i32
      %lt3A_1010 = arith.cmpi slt, %rem3A_1006, %lt3A_1009 : i32
      %lt3A_1011 = arith.constant 0 : i32
      %lt3A_1012 = arith.cmpi slt, %select_n3A_1005, %lt3A_1011 : i32
      %ne3A_1013 = arith.xori %lt3A_1010, %lt3A_1012 : i1
      %and3A_1014 = arith.andi %ne3A_1013, %ne3A_1008 : i1
      %add3A_1015 = arith.addi %rem3A_1006, %select_n3A_1005 : i32
      %select_n3A_1016 = arith.select %and3A_1014, %add3A_1015, %rem3A_1006 : i32
      %mul3A_1017 = arith.constant 32 : i32
      %mul3A_1018 = arith.muli %add3A_976, %mul3A_1017 : i32
      %add3A_1019 = arith.addi %mul3A_1018, %select_n3A_1016 : i32
      %mul3A_1020 = arith.constant 128 : i32
      %mul3A_1021 = arith.muli %add3A_1019, %mul3A_1020 : i32
      %dma_start3A_1022 = arith.constant 2 : i32
      %dma_start3A_1023 = arith.constant 2 : i32
      %dma_start3A_1024 = arith.constant 0 : i32
      %dma_start3A_1025 = arith.constant 0 : i32
      %dma_start3A_1026 = tpu.memref_slice %arg6[%dma_start3A_1022, %dma_start3A_1024, %dma_start3A_1025] : memref<4x128x128xf32, #tpu.memory_space<vmem>> -> memref<1x128x128xf32, #tpu.memory_space<vmem>>
      %dma_start3A_1027 = tpu.memref_squeeze %dma_start3A_1026 : memref<1x128x128xf32, #tpu.memory_space<vmem>> -> memref<128x128xf32, #tpu.memory_space<vmem>>
      %dma_start3A_1028 = arith.constant 0 : i32
      %dma_start3A_1029 = tpu.memref_slice %arg4[%mul3A_1021, %dma_start3A_1028] : memref<819200x128xf32, #tpu.memory_space<hbm>> -> memref<128x128xf32, #tpu.memory_space<hbm>>
      %dma_start3A_1030 = tpu.memref_slice %arg8[%dma_start3A_1023] : memref<4x!tpu.dma_semaphore, #tpu.memory_space<semaphore_mem>> -> memref<1x!tpu.dma_semaphore, #tpu.memory_space<semaphore_mem>>
      %dma_start3A_1031 = tpu.memref_squeeze %dma_start3A_1030 : memref<1x!tpu.dma_semaphore, #tpu.memory_space<semaphore_mem>> -> memref<!tpu.dma_semaphore, #tpu.memory_space<semaphore_mem>>
      %dma_start3A_1032 = arith.constant 0 : i32
      %dma_start3A_1033 = tpu.memref_slice %arg4[%mul3A_1021, %dma_start3A_1032] : memref<819200x128xf32, #tpu.memory_space<hbm>> -> memref<128x128xf32, #tpu.memory_space<hbm>>
      %dma_start3A_1034 = arith.constant 0 : i32
      %dma_start3A_1035 = arith.constant 0 : i32
      %dma_start3A_1036 = tpu.memref_slice %arg6[%dma_start3A_1022, %dma_start3A_1034, %dma_start3A_1035] : memref<4x128x128xf32, #tpu.memory_space<vmem>> -> memref<1x128x128xf32, #tpu.memory_space<vmem>>
      %dma_start3A_1037 = tpu.memref_squeeze %dma_start3A_1036 : memref<1x128x128xf32, #tpu.memory_space<vmem>> -> memref<128x128xf32, #tpu.memory_space<vmem>>
      tpu.enqueue_dma source(%dma_start3A_1037 : memref<128x128xf32, #tpu.memory_space<vmem>>) target(%dma_start3A_1033 : memref<128x128xf32, #tpu.memory_space<hbm>>) target_semaphore(%dma_start3A_1031 : memref<!tpu.dma_semaphore, #tpu.memory_space<semaphore_mem>>)
      %dma_wait3A_1038 = arith.constant 2 : i32
      %dma_wait3A_1039 = arith.constant 2 : i32
      %dma_wait3A_1040 = arith.constant 0 : i32
      %dma_wait3A_1041 = arith.constant 0 : i32
      %dma_wait3A_1042 = tpu.memref_slice %arg6[%dma_wait3A_1038, %dma_wait3A_1040, %dma_wait3A_1041] : memref<4x128x128xf32, #tpu.memory_space<vmem>> -> memref<1x128x128xf32, #tpu.memory_space<vmem>>
      %dma_wait3A_1043 = tpu.memref_squeeze %dma_wait3A_1042 : memref<1x128x128xf32, #tpu.memory_space<vmem>> -> memref<128x128xf32, #tpu.memory_space<vmem>>
      %dma_wait3A_1044 = arith.constant 0 : i32
      %dma_wait3A_1045 = tpu.memref_slice %arg4[%mul3A_1021, %dma_wait3A_1044] : memref<819200x128xf32, #tpu.memory_space<hbm>> -> memref<128x128xf32, #tpu.memory_space<hbm>>
      %dma_wait3A_1046 = tpu.memref_slice %arg8[%dma_wait3A_1039] : memref<4x!tpu.dma_semaphore, #tpu.memory_space<semaphore_mem>> -> memref<1x!tpu.dma_semaphore, #tpu.memory_space<semaphore_mem>>
      %dma_wait3A_1047 = tpu.memref_squeeze %dma_wait3A_1046 : memref<1x!tpu.dma_semaphore, #tpu.memory_space<semaphore_mem>> -> memref<!tpu.dma_semaphore, #tpu.memory_space<semaphore_mem>>
      %dma_wait3A_1048 = arith.constant 0 : i32
      %dma_wait3A_1049 = tpu.memref_slice %arg4[%mul3A_1021, %dma_wait3A_1048] : memref<819200x128xf32, #tpu.memory_space<hbm>> -> memref<128x128xf32, #tpu.memory_space<hbm>>
      %dma_wait3A_1050 = arith.constant 0 : i32
      %dma_wait3A_1051 = arith.constant 0 : i32
      %dma_wait3A_1052 = tpu.memref_slice %arg6[%dma_wait3A_1038, %dma_wait3A_1050, %dma_wait3A_1051] : memref<4x128x128xf32, #tpu.memory_space<vmem>> -> memref<1x128x128xf32, #tpu.memory_space<vmem>>
      %dma_wait3A_1053 = tpu.memref_squeeze %dma_wait3A_1052 : memref<1x128x128xf32, #tpu.memory_space<vmem>> -> memref<128x128xf32, #tpu.memory_space<vmem>>
      tpu.wait_dma2 semaphore(%dma_wait3A_1047 : memref<!tpu.dma_semaphore, #tpu.memory_space<semaphore_mem>>) src(%dma_wait3A_1053 : memref<128x128xf32, #tpu.memory_space<vmem>>) dst(%dma_wait3A_1049 : memref<128x128xf32, #tpu.memory_space<hbm>>)
      %add3A_1054 = arith.constant 4 : i32
      %add3A_1055 = arith.addi %add3A_918, %add3A_1054 : i32
      %dma_start3A_1056 = arith.constant 2 : i32
      %dma_start3A_1057 = arith.constant 2 : i32
      %dma_start3A_1058 = arith.constant 0 : i32
      %dma_start3A_1059 = arith.constant 0 : i32
      %dma_start3A_1060 = tpu.memref_slice %arg6[%dma_start3A_1056, %dma_start3A_1058, %dma_start3A_1059] : memref<4x128x128xf32, #tpu.memory_space<vmem>> -> memref<1x128x128xf32, #tpu.memory_space<vmem>>
      %dma_start3A_1061 = tpu.memref_squeeze %dma_start3A_1060 : memref<1x128x128xf32, #tpu.memory_space<vmem>> -> memref<128x128xf32, #tpu.memory_space<vmem>>
      %dma_start3A_1062 = arith.constant 0 : i32
      %dma_start3A_1063 = tpu.memref_slice %arg5[%add3A_1055, %dma_start3A_1062] : memref<200x128xi32, #tpu.memory_space<vmem>> -> memref<1x128xi32, #tpu.memory_space<vmem>>
      %dma_start3A_1064 = tpu.memref_squeeze %dma_start3A_1063 : memref<1x128xi32, #tpu.memory_space<vmem>> -> memref<128xi32, #tpu.memory_space<vmem>>
      %dma_start3A_1065 = arith.constant 0 : i32
      %dma_start3A_1066 = arith.constant 0 : i32
      %dma_start3A_1067 = tpu.memref_slice %arg3[%dma_start3A_1065, %dma_start3A_1066] : memref<1000000x128xf32, #tpu.memory_space<hbm>> -> memref<1000000x128xf32, #tpu.memory_space<hbm>>
      %dma_start3A_1068 = tpu.memref_slice %arg7[%dma_start3A_1057] : memref<4x!tpu.dma_semaphore, #tpu.memory_space<semaphore_mem>> -> memref<1x!tpu.dma_semaphore, #tpu.memory_space<semaphore_mem>>
      %dma_start3A_1069 = tpu.memref_squeeze %dma_start3A_1068 : memref<1x!tpu.dma_semaphore, #tpu.memory_space<semaphore_mem>> -> memref<!tpu.dma_semaphore, #tpu.memory_space<semaphore_mem>>
      tpu.enqueue_indirect_dma source(%dma_start3A_1067 : memref<1000000x128xf32, #tpu.memory_space<hbm>>) target(%dma_start3A_1061 : memref<128x128xf32, #tpu.memory_space<vmem>>) offsets(%dma_start3A_1064 : memref<128xi32, #tpu.memory_space<vmem>>) semaphore(%dma_start3A_1069 : memref<!tpu.dma_semaphore, #tpu.memory_space<semaphore_mem>>)
      %mul3A_1070 = arith.constant 4 : i32
      %mul3A_1071 = arith.muli %scan3A_604, %mul3A_1070 : i32
      %add3A_1072 = arith.constant 3 : i32
      %add3A_1073 = arith.addi %mul3A_1071, %add3A_1072 : i32
      %dma_wait3A_1074 = arith.constant 3 : i32
      %dma_wait3A_1075 = arith.constant 3 : i32
      %dma_wait3A_1076 = arith.constant 0 : i32
      %dma_wait3A_1077 = arith.constant 0 : i32
      %dma_wait3A_1078 = tpu.memref_slice %arg6[%dma_wait3A_1074, %dma_wait3A_1076, %dma_wait3A_1077] : memref<4x128x128xf32, #tpu.memory_space<vmem>> -> memref<1x128x128xf32, #tpu.memory_space<vmem>>
      %dma_wait3A_1079 = tpu.memref_squeeze %dma_wait3A_1078 : memref<1x128x128xf32, #tpu.memory_space<vmem>> -> memref<128x128xf32, #tpu.memory_space<vmem>>
      %dma_wait3A_1080 = arith.constant 0 : i32
      %dma_wait3A_1081 = tpu.memref_slice %arg5[%add3A_1073, %dma_wait3A_1080] : memref<200x128xi32, #tpu.memory_space<vmem>> -> memref<1x128xi32, #tpu.memory_space<vmem>>
      %dma_wait3A_1082 = tpu.memref_squeeze %dma_wait3A_1081 : memref<1x128xi32, #tpu.memory_space<vmem>> -> memref<128xi32, #tpu.memory_space<vmem>>
      %dma_wait3A_1083 = arith.constant 0 : i32
      %dma_wait3A_1084 = arith.constant 0 : i32
      %dma_wait3A_1085 = tpu.memref_slice %arg3[%dma_wait3A_1083, %dma_wait3A_1084] : memref<1000000x128xf32, #tpu.memory_space<hbm>> -> memref<1000000x128xf32, #tpu.memory_space<hbm>>
      %dma_wait3A_1086 = tpu.memref_slice %arg7[%dma_wait3A_1075] : memref<4x!tpu.dma_semaphore, #tpu.memory_space<semaphore_mem>> -> memref<1x!tpu.dma_semaphore, #tpu.memory_space<semaphore_mem>>
      %dma_wait3A_1087 = tpu.memref_squeeze %dma_wait3A_1086 : memref<1x!tpu.dma_semaphore, #tpu.memory_space<semaphore_mem>> -> memref<!tpu.dma_semaphore, #tpu.memory_space<semaphore_mem>>
      tpu.wait_indirect_dma semaphore(%dma_wait3A_1087 : memref<!tpu.dma_semaphore, #tpu.memory_space<semaphore_mem>>) src(%dma_wait3A_1085 : memref<1000000x128xf32, #tpu.memory_space<hbm>>) dst(%dma_wait3A_1079 : memref<128x128xf32, #tpu.memory_space<vmem>>)
      %add3A_1088 = arith.addi %mul3A_2, %add3A_1073 : i32
      %jit3A_1089 = arith.constant 256 : i32
      %div3A_1090 = arith.divsi %add3A_1088, %jit3A_1089 : i32
      %sign3A_1091 = arith.constant 0 : i32
      %sign3A_1092 = arith.cmpi sgt, %add3A_1088, %sign3A_1091 : i32
      %sign3A_1093 = arith.extui %sign3A_1092 : i1 to i32
      %sign3A_1094 = arith.constant 0 : i32
      %sign3A_1095 = arith.cmpi slt, %add3A_1088, %sign3A_1094 : i32
      %sign3A_1096 = arith.extui %sign3A_1095 : i1 to i32
      %sign3A_1097 = arith.subi %sign3A_1093, %sign3A_1096 : i32
      %sign3A_1098 = arith.constant 0 : i32
      %sign3A_1099 = arith.cmpi sgt, %jit3A_1089, %sign3A_1098 : i32
      %sign3A_1100 = arith.extui %sign3A_1099 : i1 to i32
      %sign3A_1101 = arith.constant 0 : i32
      %sign3A_1102 = arith.cmpi slt, %jit3A_1089, %sign3A_1101 : i32
      %sign3A_1103 = arith.extui %sign3A_1102 : i1 to i32
      %sign3A_1104 = arith.subi %sign3A_1100, %sign3A_1103 : i32
      %ne3A_1105 = arith.cmpi ne, %sign3A_1097, %sign3A_1104 : i32
      %rem3A_1106 = arith.remsi %add3A_1088, %jit3A_1089 : i32
      %ne3A_1107 = arith.constant 0 : i32
      %ne3A_1108 = arith.cmpi ne, %rem3A_1106, %ne3A_1107 : i32
      %and3A_1109 = arith.andi %ne3A_1105, %ne3A_1108 : i1
      %sub3A_1110 = arith.constant 1 : i32
      %sub3A_1111 = arith.subi %div3A_1090, %sub3A_1110 : i32
      %select_n3A_1112 = arith.select %and3A_1109, %sub3A_1111, %div3A_1090 : i32
      %mul3A_1113 = arith.constant 8 : i32
      %mul3A_1114 = arith.muli %select_n3A_1112, %mul3A_1113 : i32
      %jit3A_1115 = arith.constant 8 : i32
      %eq3A_1116 = arith.constant 0 : i32
      %eq3A_1117 = arith.cmpi eq, %jit3A_1115, %eq3A_1116 : i32
      %jit3A_1118 = arith.constant 1 : i32
      %select_n3A_1119 = arith.select %eq3A_1117, %jit3A_1118, %jit3A_1115 : i32
      %rem3A_1120 = arith.remsi %add3A_1088, %select_n3A_1119 : i32
      %ne3A_1121 = arith.constant 0 : i32
      %ne3A_1122 = arith.cmpi ne, %rem3A_1120, %ne3A_1121 : i32
      %lt3A_1123 = arith.constant 0 : i32
      %lt3A_1124 = arith.cmpi slt, %rem3A_1120, %lt3A_1123 : i32
      %lt3A_1125 = arith.constant 0 : i32
      %lt3A_1126 = arith.cmpi slt, %select_n3A_1119, %lt3A_1125 : i32
      %ne3A_1127 = arith.xori %lt3A_1124, %lt3A_1126 : i1
      %and3A_1128 = arith.andi %ne3A_1127, %ne3A_1122 : i1
      %add3A_1129 = arith.addi %rem3A_1120, %select_n3A_1119 : i32
      %select_n3A_1130 = arith.select %and3A_1128, %add3A_1129, %rem3A_1120 : i32
      %add3A_1131 = arith.addi %mul3A_1114, %select_n3A_1130 : i32
      %jit3A_1132 = arith.constant 8 : i32
      %div3A_1133 = arith.divsi %add3A_1088, %jit3A_1132 : i32
      %sign3A_1134 = arith.constant 0 : i32
      %sign3A_1135 = arith.cmpi sgt, %add3A_1088, %sign3A_1134 : i32
      %sign3A_1136 = arith.extui %sign3A_1135 : i1 to i32
      %sign3A_1137 = arith.constant 0 : i32
      %sign3A_1138 = arith.cmpi slt, %add3A_1088, %sign3A_1137 : i32
      %sign3A_1139 = arith.extui %sign3A_1138 : i1 to i32
      %sign3A_1140 = arith.subi %sign3A_1136, %sign3A_1139 : i32
      %sign3A_1141 = arith.constant 0 : i32
      %sign3A_1142 = arith.cmpi sgt, %jit3A_1132, %sign3A_1141 : i32
      %sign3A_1143 = arith.extui %sign3A_1142 : i1 to i32
      %sign3A_1144 = arith.constant 0 : i32
      %sign3A_1145 = arith.cmpi slt, %jit3A_1132, %sign3A_1144 : i32
      %sign3A_1146 = arith.extui %sign3A_1145 : i1 to i32
      %sign3A_1147 = arith.subi %sign3A_1143, %sign3A_1146 : i32
      %ne3A_1148 = arith.cmpi ne, %sign3A_1140, %sign3A_1147 : i32
      %rem3A_1149 = arith.remsi %add3A_1088, %jit3A_1132 : i32
      %ne3A_1150 = arith.constant 0 : i32
      %ne3A_1151 = arith.cmpi ne, %rem3A_1149, %ne3A_1150 : i32
      %and3A_1152 = arith.andi %ne3A_1148, %ne3A_1151 : i1
      %sub3A_1153 = arith.constant 1 : i32
      %sub3A_1154 = arith.subi %div3A_1133, %sub3A_1153 : i32
      %select_n3A_1155 = arith.select %and3A_1152, %sub3A_1154, %div3A_1133 : i32
      %jit3A_1156 = arith.constant 32 : i32
      %eq3A_1157 = arith.constant 0 : i32
      %eq3A_1158 = arith.cmpi eq, %jit3A_1156, %eq3A_1157 : i32
      %jit3A_1159 = arith.constant 1 : i32
      %select_n3A_1160 = arith.select %eq3A_1158, %jit3A_1159, %jit3A_1156 : i32
      %rem3A_1161 = arith.remsi %select_n3A_1155, %select_n3A_1160 : i32
      %ne3A_1162 = arith.constant 0 : i32
      %ne3A_1163 = arith.cmpi ne, %rem3A_1161, %ne3A_1162 : i32
      %lt3A_1164 = arith.constant 0 : i32
      %lt3A_1165 = arith.cmpi slt, %rem3A_1161, %lt3A_1164 : i32
      %lt3A_1166 = arith.constant 0 : i32
      %lt3A_1167 = arith.cmpi slt, %select_n3A_1160, %lt3A_1166 : i32
      %ne3A_1168 = arith.xori %lt3A_1165, %lt3A_1167 : i1
      %and3A_1169 = arith.andi %ne3A_1168, %ne3A_1163 : i1
      %add3A_1170 = arith.addi %rem3A_1161, %select_n3A_1160 : i32
      %select_n3A_1171 = arith.select %and3A_1169, %add3A_1170, %rem3A_1161 : i32
      %mul3A_1172 = arith.constant 32 : i32
      %mul3A_1173 = arith.muli %add3A_1131, %mul3A_1172 : i32
      %add3A_1174 = arith.addi %mul3A_1173, %select_n3A_1171 : i32
      %mul3A_1175 = arith.constant 128 : i32
      %mul3A_1176 = arith.muli %add3A_1174, %mul3A_1175 : i32
      %dma_start3A_1177 = arith.constant 3 : i32
      %dma_start3A_1178 = arith.constant 3 : i32
      %dma_start3A_1179 = arith.constant 0 : i32
      %dma_start3A_1180 = arith.constant 0 : i32
      %dma_start3A_1181 = tpu.memref_slice %arg6[%dma_start3A_1177, %dma_start3A_1179, %dma_start3A_1180] : memref<4x128x128xf32, #tpu.memory_space<vmem>> -> memref<1x128x128xf32, #tpu.memory_space<vmem>>
      %dma_start3A_1182 = tpu.memref_squeeze %dma_start3A_1181 : memref<1x128x128xf32, #tpu.memory_space<vmem>> -> memref<128x128xf32, #tpu.memory_space<vmem>>
      %dma_start3A_1183 = arith.constant 0 : i32
      %dma_start3A_1184 = tpu.memref_slice %arg4[%mul3A_1176, %dma_start3A_1183] : memref<819200x128xf32, #tpu.memory_space<hbm>> -> memref<128x128xf32, #tpu.memory_space<hbm>>
      %dma_start3A_1185 = tpu.memref_slice %arg8[%dma_start3A_1178] : memref<4x!tpu.dma_semaphore, #tpu.memory_space<semaphore_mem>> -> memref<1x!tpu.dma_semaphore, #tpu.memory_space<semaphore_mem>>
      %dma_start3A_1186 = tpu.memref_squeeze %dma_start3A_1185 : memref<1x!tpu.dma_semaphore, #tpu.memory_space<semaphore_mem>> -> memref<!tpu.dma_semaphore, #tpu.memory_space<semaphore_mem>>
      %dma_start3A_1187 = arith.constant 0 : i32
      %dma_start3A_1188 = tpu.memref_slice %arg4[%mul3A_1176, %dma_start3A_1187] : memref<819200x128xf32, #tpu.memory_space<hbm>> -> memref<128x128xf32, #tpu.memory_space<hbm>>
      %dma_start3A_1189 = arith.constant 0 : i32
      %dma_start3A_1190 = arith.constant 0 : i32
      %dma_start3A_1191 = tpu.memref_slice %arg6[%dma_start3A_1177, %dma_start3A_1189, %dma_start3A_1190] : memref<4x128x128xf32, #tpu.memory_space<vmem>> -> memref<1x128x128xf32, #tpu.memory_space<vmem>>
      %dma_start3A_1192 = tpu.memref_squeeze %dma_start3A_1191 : memref<1x128x128xf32, #tpu.memory_space<vmem>> -> memref<128x128xf32, #tpu.memory_space<vmem>>
      tpu.enqueue_dma source(%dma_start3A_1192 : memref<128x128xf32, #tpu.memory_space<vmem>>) target(%dma_start3A_1188 : memref<128x128xf32, #tpu.memory_space<hbm>>) target_semaphore(%dma_start3A_1186 : memref<!tpu.dma_semaphore, #tpu.memory_space<semaphore_mem>>)
      %dma_wait3A_1193 = arith.constant 3 : i32
      %dma_wait3A_1194 = arith.constant 3 : i32
      %dma_wait3A_1195 = arith.constant 0 : i32
      %dma_wait3A_1196 = arith.constant 0 : i32
      %dma_wait3A_1197 = tpu.memref_slice %arg6[%dma_wait3A_1193, %dma_wait3A_1195, %dma_wait3A_1196] : memref<4x128x128xf32, #tpu.memory_space<vmem>> -> memref<1x128x128xf32, #tpu.memory_space<vmem>>
      %dma_wait3A_1198 = tpu.memref_squeeze %dma_wait3A_1197 : memref<1x128x128xf32, #tpu.memory_space<vmem>> -> memref<128x128xf32, #tpu.memory_space<vmem>>
      %dma_wait3A_1199 = arith.constant 0 : i32
      %dma_wait3A_1200 = tpu.memref_slice %arg4[%mul3A_1176, %dma_wait3A_1199] : memref<819200x128xf32, #tpu.memory_space<hbm>> -> memref<128x128xf32, #tpu.memory_space<hbm>>
      %dma_wait3A_1201 = tpu.memref_slice %arg8[%dma_wait3A_1194] : memref<4x!tpu.dma_semaphore, #tpu.memory_space<semaphore_mem>> -> memref<1x!tpu.dma_semaphore, #tpu.memory_space<semaphore_mem>>
      %dma_wait3A_1202 = tpu.memref_squeeze %dma_wait3A_1201 : memref<1x!tpu.dma_semaphore, #tpu.memory_space<semaphore_mem>> -> memref<!tpu.dma_semaphore, #tpu.memory_space<semaphore_mem>>
      %dma_wait3A_1203 = arith.constant 0 : i32
      %dma_wait3A_1204 = tpu.memref_slice %arg4[%mul3A_1176, %dma_wait3A_1203] : memref<819200x128xf32, #tpu.memory_space<hbm>> -> memref<128x128xf32, #tpu.memory_space<hbm>>
      %dma_wait3A_1205 = arith.constant 0 : i32
      %dma_wait3A_1206 = arith.constant 0 : i32
      %dma_wait3A_1207 = tpu.memref_slice %arg6[%dma_wait3A_1193, %dma_wait3A_1205, %dma_wait3A_1206] : memref<4x128x128xf32, #tpu.memory_space<vmem>> -> memref<1x128x128xf32, #tpu.memory_space<vmem>>
      %dma_wait3A_1208 = tpu.memref_squeeze %dma_wait3A_1207 : memref<1x128x128xf32, #tpu.memory_space<vmem>> -> memref<128x128xf32, #tpu.memory_space<vmem>>
      tpu.wait_dma2 semaphore(%dma_wait3A_1202 : memref<!tpu.dma_semaphore, #tpu.memory_space<semaphore_mem>>) src(%dma_wait3A_1208 : memref<128x128xf32, #tpu.memory_space<vmem>>) dst(%dma_wait3A_1204 : memref<128x128xf32, #tpu.memory_space<hbm>>)
      %add3A_1209 = arith.constant 4 : i32
      %add3A_1210 = arith.addi %add3A_1073, %add3A_1209 : i32
      %dma_start3A_1211 = arith.constant 3 : i32
      %dma_start3A_1212 = arith.constant 3 : i32
      %dma_start3A_1213 = arith.constant 0 : i32
      %dma_start3A_1214 = arith.constant 0 : i32
      %dma_start3A_1215 = tpu.memref_slice %arg6[%dma_start3A_1211, %dma_start3A_1213, %dma_start3A_1214] : memref<4x128x128xf32, #tpu.memory_space<vmem>> -> memref<1x128x128xf32, #tpu.memory_space<vmem>>
      %dma_start3A_1216 = tpu.memref_squeeze %dma_start3A_1215 : memref<1x128x128xf32, #tpu.memory_space<vmem>> -> memref<128x128xf32, #tpu.memory_space<vmem>>
      %dma_start3A_1217 = arith.constant 0 : i32
      %dma_start3A_1218 = tpu.memref_slice %arg5[%add3A_1210, %dma_start3A_1217] : memref<200x128xi32, #tpu.memory_space<vmem>> -> memref<1x128xi32, #tpu.memory_space<vmem>>
      %dma_start3A_1219 = tpu.memref_squeeze %dma_start3A_1218 : memref<1x128xi32, #tpu.memory_space<vmem>> -> memref<128xi32, #tpu.memory_space<vmem>>
      %dma_start3A_1220 = arith.constant 0 : i32
      %dma_start3A_1221 = arith.constant 0 : i32
      %dma_start3A_1222 = tpu.memref_slice %arg3[%dma_start3A_1220, %dma_start3A_1221] : memref<1000000x128xf32, #tpu.memory_space<hbm>> -> memref<1000000x128xf32, #tpu.memory_space<hbm>>
      %dma_start3A_1223 = tpu.memref_slice %arg7[%dma_start3A_1212] : memref<4x!tpu.dma_semaphore, #tpu.memory_space<semaphore_mem>> -> memref<1x!tpu.dma_semaphore, #tpu.memory_space<semaphore_mem>>
      %dma_start3A_1224 = tpu.memref_squeeze %dma_start3A_1223 : memref<1x!tpu.dma_semaphore, #tpu.memory_space<semaphore_mem>> -> memref<!tpu.dma_semaphore, #tpu.memory_space<semaphore_mem>>
      tpu.enqueue_indirect_dma source(%dma_start3A_1222 : memref<1000000x128xf32, #tpu.memory_space<hbm>>) target(%dma_start3A_1216 : memref<128x128xf32, #tpu.memory_space<vmem>>) offsets(%dma_start3A_1219 : memref<128xi32, #tpu.memory_space<vmem>>) semaphore(%dma_start3A_1224 : memref<!tpu.dma_semaphore, #tpu.memory_space<semaphore_mem>>)
    }
    %scan3A_66 = arith.constant 49 : i32
    %dma_wait3A = arith.constant 196 : i32
    %dma_wait3A_67 = arith.constant 0 : i32
    %dma_wait3A_68 = arith.constant 0 : i32
    %dma_wait3A_69 = arith.constant 0 : i32
    %dma_wait3A_70 = arith.constant 0 : i32
    %dma_wait3A_71 = tpu.memref_slice %arg6[%dma_wait3A_67, %dma_wait3A_69, %dma_wait3A_70] : memref<4x128x128xf32, #tpu.memory_space<vmem>> -> memref<1x128x128xf32, #tpu.memory_space<vmem>>
    %dma_wait3A_72 = tpu.memref_squeeze %dma_wait3A_71 : memref<1x128x128xf32, #tpu.memory_space<vmem>> -> memref<128x128xf32, #tpu.memory_space<vmem>>
    %dma_wait3A_73 = arith.constant 0 : i32
    %dma_wait3A_74 = tpu.memref_slice %arg5[%dma_wait3A, %dma_wait3A_73] : memref<200x128xi32, #tpu.memory_space<vmem>> -> memref<1x128xi32, #tpu.memory_space<vmem>>
    %dma_wait3A_75 = tpu.memref_squeeze %dma_wait3A_74 : memref<1x128xi32, #tpu.memory_space<vmem>> -> memref<128xi32, #tpu.memory_space<vmem>>
    %dma_wait3A_76 = arith.constant 0 : i32
    %dma_wait3A_77 = arith.constant 0 : i32
    %dma_wait3A_78 = tpu.memref_slice %arg3[%dma_wait3A_76, %dma_wait3A_77] : memref<1000000x128xf32, #tpu.memory_space<hbm>> -> memref<1000000x128xf32, #tpu.memory_space<hbm>>
    %dma_wait3A_79 = tpu.memref_slice %arg7[%dma_wait3A_68] : memref<4x!tpu.dma_semaphore, #tpu.memory_space<semaphore_mem>> -> memref<1x!tpu.dma_semaphore, #tpu.memory_space<semaphore_mem>>
    %dma_wait3A_80 = tpu.memref_squeeze %dma_wait3A_79 : memref<1x!tpu.dma_semaphore, #tpu.memory_space<semaphore_mem>> -> memref<!tpu.dma_semaphore, #tpu.memory_space<semaphore_mem>>
    tpu.wait_indirect_dma semaphore(%dma_wait3A_80 : memref<!tpu.dma_semaphore, #tpu.memory_space<semaphore_mem>>) src(%dma_wait3A_78 : memref<1000000x128xf32, #tpu.memory_space<hbm>>) dst(%dma_wait3A_72 : memref<128x128xf32, #tpu.memory_space<vmem>>)
    %add3A_81 = arith.constant 196 : i32
    %add3A_82 = arith.addi %mul3A_2, %add3A_81 : i32
    %jit3A = arith.constant 256 : i32
    %div3A = arith.divsi %add3A_82, %jit3A : i32
    %sign3A = arith.constant 0 : i32
    %sign3A_83 = arith.cmpi sgt, %add3A_82, %sign3A : i32
    %sign3A_84 = arith.extui %sign3A_83 : i1 to i32
    %sign3A_85 = arith.constant 0 : i32
    %sign3A_86 = arith.cmpi slt, %add3A_82, %sign3A_85 : i32
    %sign3A_87 = arith.extui %sign3A_86 : i1 to i32
    %sign3A_88 = arith.subi %sign3A_84, %sign3A_87 : i32
    %sign3A_89 = arith.constant 0 : i32
    %sign3A_90 = arith.cmpi sgt, %jit3A, %sign3A_89 : i32
    %sign3A_91 = arith.extui %sign3A_90 : i1 to i32
    %sign3A_92 = arith.constant 0 : i32
    %sign3A_93 = arith.cmpi slt, %jit3A, %sign3A_92 : i32
    %sign3A_94 = arith.extui %sign3A_93 : i1 to i32
    %sign3A_95 = arith.subi %sign3A_91, %sign3A_94 : i32
    %ne3A = arith.cmpi ne, %sign3A_88, %sign3A_95 : i32
    %rem3A = arith.remsi %add3A_82, %jit3A : i32
    %ne3A_96 = arith.constant 0 : i32
    %ne3A_97 = arith.cmpi ne, %rem3A, %ne3A_96 : i32
    %and3A = arith.andi %ne3A, %ne3A_97 : i1
    %sub3A = arith.constant 1 : i32
    %sub3A_98 = arith.subi %div3A, %sub3A : i32
    %select_n3A = arith.select %and3A, %sub3A_98, %div3A : i32
    %mul3A_99 = arith.constant 8 : i32
    %mul3A_100 = arith.muli %select_n3A, %mul3A_99 : i32
    %jit3A_101 = arith.constant 8 : i32
    %eq3A = arith.constant 0 : i32
    %eq3A_102 = arith.cmpi eq, %jit3A_101, %eq3A : i32
    %jit3A_103 = arith.constant 1 : i32
    %select_n3A_104 = arith.select %eq3A_102, %jit3A_103, %jit3A_101 : i32
    %rem3A_105 = arith.remsi %add3A_82, %select_n3A_104 : i32
    %ne3A_106 = arith.constant 0 : i32
    %ne3A_107 = arith.cmpi ne, %rem3A_105, %ne3A_106 : i32
    %lt3A = arith.constant 0 : i32
    %lt3A_108 = arith.cmpi slt, %rem3A_105, %lt3A : i32
    %lt3A_109 = arith.constant 0 : i32
    %lt3A_110 = arith.cmpi slt, %select_n3A_104, %lt3A_109 : i32
    %ne3A_111 = arith.xori %lt3A_108, %lt3A_110 : i1
    %and3A_112 = arith.andi %ne3A_111, %ne3A_107 : i1
    %add3A_113 = arith.addi %rem3A_105, %select_n3A_104 : i32
    %select_n3A_114 = arith.select %and3A_112, %add3A_113, %rem3A_105 : i32
    %add3A_115 = arith.addi %mul3A_100, %select_n3A_114 : i32
    %jit3A_116 = arith.constant 8 : i32
    %div3A_117 = arith.divsi %add3A_82, %jit3A_116 : i32
    %sign3A_118 = arith.constant 0 : i32
    %sign3A_119 = arith.cmpi sgt, %add3A_82, %sign3A_118 : i32
    %sign3A_120 = arith.extui %sign3A_119 : i1 to i32
    %sign3A_121 = arith.constant 0 : i32
    %sign3A_122 = arith.cmpi slt, %add3A_82, %sign3A_121 : i32
    %sign3A_123 = arith.extui %sign3A_122 : i1 to i32
    %sign3A_124 = arith.subi %sign3A_120, %sign3A_123 : i32
    %sign3A_125 = arith.constant 0 : i32
    %sign3A_126 = arith.cmpi sgt, %jit3A_116, %sign3A_125 : i32
    %sign3A_127 = arith.extui %sign3A_126 : i1 to i32
    %sign3A_128 = arith.constant 0 : i32
    %sign3A_129 = arith.cmpi slt, %jit3A_116, %sign3A_128 : i32
    %sign3A_130 = arith.extui %sign3A_129 : i1 to i32
    %sign3A_131 = arith.subi %sign3A_127, %sign3A_130 : i32
    %ne3A_132 = arith.cmpi ne, %sign3A_124, %sign3A_131 : i32
    %rem3A_133 = arith.remsi %add3A_82, %jit3A_116 : i32
    %ne3A_134 = arith.constant 0 : i32
    %ne3A_135 = arith.cmpi ne, %rem3A_133, %ne3A_134 : i32
    %and3A_136 = arith.andi %ne3A_132, %ne3A_135 : i1
    %sub3A_137 = arith.constant 1 : i32
    %sub3A_138 = arith.subi %div3A_117, %sub3A_137 : i32
    %select_n3A_139 = arith.select %and3A_136, %sub3A_138, %div3A_117 : i32
    %jit3A_140 = arith.constant 32 : i32
    %eq3A_141 = arith.constant 0 : i32
    %eq3A_142 = arith.cmpi eq, %jit3A_140, %eq3A_141 : i32
    %jit3A_143 = arith.constant 1 : i32
    %select_n3A_144 = arith.select %eq3A_142, %jit3A_143, %jit3A_140 : i32
    %rem3A_145 = arith.remsi %select_n3A_139, %select_n3A_144 : i32
    %ne3A_146 = arith.constant 0 : i32
    %ne3A_147 = arith.cmpi ne, %rem3A_145, %ne3A_146 : i32
    %lt3A_148 = arith.constant 0 : i32
    %lt3A_149 = arith.cmpi slt, %rem3A_145, %lt3A_148 : i32
    %lt3A_150 = arith.constant 0 : i32
    %lt3A_151 = arith.cmpi slt, %select_n3A_144, %lt3A_150 : i32
    %ne3A_152 = arith.xori %lt3A_149, %lt3A_151 : i1
    %and3A_153 = arith.andi %ne3A_152, %ne3A_147 : i1
    %add3A_154 = arith.addi %rem3A_145, %select_n3A_144 : i32
    %select_n3A_155 = arith.select %and3A_153, %add3A_154, %rem3A_145 : i32
    %mul3A_156 = arith.constant 32 : i32
    %mul3A_157 = arith.muli %add3A_115, %mul3A_156 : i32
    %add3A_158 = arith.addi %mul3A_157, %select_n3A_155 : i32
    %mul3A_159 = arith.constant 128 : i32
    %mul3A_160 = arith.muli %add3A_158, %mul3A_159 : i32
    %dma_start3A_161 = arith.constant 0 : i32
    %dma_start3A_162 = arith.constant 0 : i32
    %dma_start3A_163 = arith.constant 0 : i32
    %dma_start3A_164 = arith.constant 0 : i32
    %dma_start3A_165 = tpu.memref_slice %arg6[%dma_start3A_161, %dma_start3A_163, %dma_start3A_164] : memref<4x128x128xf32, #tpu.memory_space<vmem>> -> memref<1x128x128xf32, #tpu.memory_space<vmem>>
    %dma_start3A_166 = tpu.memref_squeeze %dma_start3A_165 : memref<1x128x128xf32, #tpu.memory_space<vmem>> -> memref<128x128xf32, #tpu.memory_space<vmem>>
    %dma_start3A_167 = arith.constant 0 : i32
    %dma_start3A_168 = tpu.memref_slice %arg4[%mul3A_160, %dma_start3A_167] : memref<819200x128xf32, #tpu.memory_space<hbm>> -> memref<128x128xf32, #tpu.memory_space<hbm>>
    %dma_start3A_169 = tpu.memref_slice %arg8[%dma_start3A_162] : memref<4x!tpu.dma_semaphore, #tpu.memory_space<semaphore_mem>> -> memref<1x!tpu.dma_semaphore, #tpu.memory_space<semaphore_mem>>
    %dma_start3A_170 = tpu.memref_squeeze %dma_start3A_169 : memref<1x!tpu.dma_semaphore, #tpu.memory_space<semaphore_mem>> -> memref<!tpu.dma_semaphore, #tpu.memory_space<semaphore_mem>>
    %dma_start3A_171 = arith.constant 0 : i32
    %dma_start3A_172 = tpu.memref_slice %arg4[%mul3A_160, %dma_start3A_171] : memref<819200x128xf32, #tpu.memory_space<hbm>> -> memref<128x128xf32, #tpu.memory_space<hbm>>
    %dma_start3A_173 = arith.constant 0 : i32
    %dma_start3A_174 = arith.constant 0 : i32
    %dma_start3A_175 = tpu.memref_slice %arg6[%dma_start3A_161, %dma_start3A_173, %dma_start3A_174] : memref<4x128x128xf32, #tpu.memory_space<vmem>> -> memref<1x128x128xf32, #tpu.memory_space<vmem>>
    %dma_start3A_176 = tpu.memref_squeeze %dma_start3A_175 : memref<1x128x128xf32, #tpu.memory_space<vmem>> -> memref<128x128xf32, #tpu.memory_space<vmem>>
    tpu.enqueue_dma source(%dma_start3A_176 : memref<128x128xf32, #tpu.memory_space<vmem>>) target(%dma_start3A_172 : memref<128x128xf32, #tpu.memory_space<hbm>>) target_semaphore(%dma_start3A_170 : memref<!tpu.dma_semaphore, #tpu.memory_space<semaphore_mem>>)
    %dma_wait3A_177 = arith.constant 0 : i32
    %dma_wait3A_178 = arith.constant 0 : i32
    %dma_wait3A_179 = arith.constant 0 : i32
    %dma_wait3A_180 = arith.constant 0 : i32
    %dma_wait3A_181 = tpu.memref_slice %arg6[%dma_wait3A_177, %dma_wait3A_179, %dma_wait3A_180] : memref<4x128x128xf32, #tpu.memory_space<vmem>> -> memref<1x128x128xf32, #tpu.memory_space<vmem>>
    %dma_wait3A_182 = tpu.memref_squeeze %dma_wait3A_181 : memref<1x128x128xf32, #tpu.memory_space<vmem>> -> memref<128x128xf32, #tpu.memory_space<vmem>>
    %dma_wait3A_183 = arith.constant 0 : i32
    %dma_wait3A_184 = tpu.memref_slice %arg4[%mul3A_160, %dma_wait3A_183] : memref<819200x128xf32, #tpu.memory_space<hbm>> -> memref<128x128xf32, #tpu.memory_space<hbm>>
    %dma_wait3A_185 = tpu.memref_slice %arg8[%dma_wait3A_178] : memref<4x!tpu.dma_semaphore, #tpu.memory_space<semaphore_mem>> -> memref<1x!tpu.dma_semaphore, #tpu.memory_space<semaphore_mem>>
    %dma_wait3A_186 = tpu.memref_squeeze %dma_wait3A_185 : memref<1x!tpu.dma_semaphore, #tpu.memory_space<semaphore_mem>> -> memref<!tpu.dma_semaphore, #tpu.memory_space<semaphore_mem>>
    %dma_wait3A_187 = arith.constant 0 : i32
    %dma_wait3A_188 = tpu.memref_slice %arg4[%mul3A_160, %dma_wait3A_187] : memref<819200x128xf32, #tpu.memory_space<hbm>> -> memref<128x128xf32, #tpu.memory_space<hbm>>
    %dma_wait3A_189 = arith.constant 0 : i32
    %dma_wait3A_190 = arith.constant 0 : i32
    %dma_wait3A_191 = tpu.memref_slice %arg6[%dma_wait3A_177, %dma_wait3A_189, %dma_wait3A_190] : memref<4x128x128xf32, #tpu.memory_space<vmem>> -> memref<1x128x128xf32, #tpu.memory_space<vmem>>
    %dma_wait3A_192 = tpu.memref_squeeze %dma_wait3A_191 : memref<1x128x128xf32, #tpu.memory_space<vmem>> -> memref<128x128xf32, #tpu.memory_space<vmem>>
    tpu.wait_dma2 semaphore(%dma_wait3A_186 : memref<!tpu.dma_semaphore, #tpu.memory_space<semaphore_mem>>) src(%dma_wait3A_192 : memref<128x128xf32, #tpu.memory_space<vmem>>) dst(%dma_wait3A_188 : memref<128x128xf32, #tpu.memory_space<hbm>>)
    %dma_wait3A_193 = arith.constant 197 : i32
    %dma_wait3A_194 = arith.constant 1 : i32
    %dma_wait3A_195 = arith.constant 1 : i32
    %dma_wait3A_196 = arith.constant 0 : i32
    %dma_wait3A_197 = arith.constant 0 : i32
    %dma_wait3A_198 = tpu.memref_slice %arg6[%dma_wait3A_194, %dma_wait3A_196, %dma_wait3A_197] : memref<4x128x128xf32, #tpu.memory_space<vmem>> -> memref<1x128x128xf32, #tpu.memory_space<vmem>>
    %dma_wait3A_199 = tpu.memref_squeeze %dma_wait3A_198 : memref<1x128x128xf32, #tpu.memory_space<vmem>> -> memref<128x128xf32, #tpu.memory_space<vmem>>
    %dma_wait3A_200 = arith.constant 0 : i32
    %dma_wait3A_201 = tpu.memref_slice %arg5[%dma_wait3A_193, %dma_wait3A_200] : memref<200x128xi32, #tpu.memory_space<vmem>> -> memref<1x128xi32, #tpu.memory_space<vmem>>
    %dma_wait3A_202 = tpu.memref_squeeze %dma_wait3A_201 : memref<1x128xi32, #tpu.memory_space<vmem>> -> memref<128xi32, #tpu.memory_space<vmem>>
    %dma_wait3A_203 = arith.constant 0 : i32
    %dma_wait3A_204 = arith.constant 0 : i32
    %dma_wait3A_205 = tpu.memref_slice %arg3[%dma_wait3A_203, %dma_wait3A_204] : memref<1000000x128xf32, #tpu.memory_space<hbm>> -> memref<1000000x128xf32, #tpu.memory_space<hbm>>
    %dma_wait3A_206 = tpu.memref_slice %arg7[%dma_wait3A_195] : memref<4x!tpu.dma_semaphore, #tpu.memory_space<semaphore_mem>> -> memref<1x!tpu.dma_semaphore, #tpu.memory_space<semaphore_mem>>
    %dma_wait3A_207 = tpu.memref_squeeze %dma_wait3A_206 : memref<1x!tpu.dma_semaphore, #tpu.memory_space<semaphore_mem>> -> memref<!tpu.dma_semaphore, #tpu.memory_space<semaphore_mem>>
    tpu.wait_indirect_dma semaphore(%dma_wait3A_207 : memref<!tpu.dma_semaphore, #tpu.memory_space<semaphore_mem>>) src(%dma_wait3A_205 : memref<1000000x128xf32, #tpu.memory_space<hbm>>) dst(%dma_wait3A_199 : memref<128x128xf32, #tpu.memory_space<vmem>>)
    %add3A_208 = arith.constant 197 : i32
    %add3A_209 = arith.addi %mul3A_2, %add3A_208 : i32
    %jit3A_210 = arith.constant 256 : i32
    %div3A_211 = arith.divsi %add3A_209, %jit3A_210 : i32
    %sign3A_212 = arith.constant 0 : i32
    %sign3A_213 = arith.cmpi sgt, %add3A_209, %sign3A_212 : i32
    %sign3A_214 = arith.extui %sign3A_213 : i1 to i32
    %sign3A_215 = arith.constant 0 : i32
    %sign3A_216 = arith.cmpi slt, %add3A_209, %sign3A_215 : i32
    %sign3A_217 = arith.extui %sign3A_216 : i1 to i32
    %sign3A_218 = arith.subi %sign3A_214, %sign3A_217 : i32
    %sign3A_219 = arith.constant 0 : i32
    %sign3A_220 = arith.cmpi sgt, %jit3A_210, %sign3A_219 : i32
    %sign3A_221 = arith.extui %sign3A_220 : i1 to i32
    %sign3A_222 = arith.constant 0 : i32
    %sign3A_223 = arith.cmpi slt, %jit3A_210, %sign3A_222 : i32
    %sign3A_224 = arith.extui %sign3A_223 : i1 to i32
    %sign3A_225 = arith.subi %sign3A_221, %sign3A_224 : i32
    %ne3A_226 = arith.cmpi ne, %sign3A_218, %sign3A_225 : i32
    %rem3A_227 = arith.remsi %add3A_209, %jit3A_210 : i32
    %ne3A_228 = arith.constant 0 : i32
    %ne3A_229 = arith.cmpi ne, %rem3A_227, %ne3A_228 : i32
    %and3A_230 = arith.andi %ne3A_226, %ne3A_229 : i1
    %sub3A_231 = arith.constant 1 : i32
    %sub3A_232 = arith.subi %div3A_211, %sub3A_231 : i32
    %select_n3A_233 = arith.select %and3A_230, %sub3A_232, %div3A_211 : i32
    %mul3A_234 = arith.constant 8 : i32
    %mul3A_235 = arith.muli %select_n3A_233, %mul3A_234 : i32
    %jit3A_236 = arith.constant 8 : i32
    %eq3A_237 = arith.constant 0 : i32
    %eq3A_238 = arith.cmpi eq, %jit3A_236, %eq3A_237 : i32
    %jit3A_239 = arith.constant 1 : i32
    %select_n3A_240 = arith.select %eq3A_238, %jit3A_239, %jit3A_236 : i32
    %rem3A_241 = arith.remsi %add3A_209, %select_n3A_240 : i32
    %ne3A_242 = arith.constant 0 : i32
    %ne3A_243 = arith.cmpi ne, %rem3A_241, %ne3A_242 : i32
    %lt3A_244 = arith.constant 0 : i32
    %lt3A_245 = arith.cmpi slt, %rem3A_241, %lt3A_244 : i32
    %lt3A_246 = arith.constant 0 : i32
    %lt3A_247 = arith.cmpi slt, %select_n3A_240, %lt3A_246 : i32
    %ne3A_248 = arith.xori %lt3A_245, %lt3A_247 : i1
    %and3A_249 = arith.andi %ne3A_248, %ne3A_243 : i1
    %add3A_250 = arith.addi %rem3A_241, %select_n3A_240 : i32
    %select_n3A_251 = arith.select %and3A_249, %add3A_250, %rem3A_241 : i32
    %add3A_252 = arith.addi %mul3A_235, %select_n3A_251 : i32
    %jit3A_253 = arith.constant 8 : i32
    %div3A_254 = arith.divsi %add3A_209, %jit3A_253 : i32
    %sign3A_255 = arith.constant 0 : i32
    %sign3A_256 = arith.cmpi sgt, %add3A_209, %sign3A_255 : i32
    %sign3A_257 = arith.extui %sign3A_256 : i1 to i32
    %sign3A_258 = arith.constant 0 : i32
    %sign3A_259 = arith.cmpi slt, %add3A_209, %sign3A_258 : i32
    %sign3A_260 = arith.extui %sign3A_259 : i1 to i32
    %sign3A_261 = arith.subi %sign3A_257, %sign3A_260 : i32
    %sign3A_262 = arith.constant 0 : i32
    %sign3A_263 = arith.cmpi sgt, %jit3A_253, %sign3A_262 : i32
    %sign3A_264 = arith.extui %sign3A_263 : i1 to i32
    %sign3A_265 = arith.constant 0 : i32
    %sign3A_266 = arith.cmpi slt, %jit3A_253, %sign3A_265 : i32
    %sign3A_267 = arith.extui %sign3A_266 : i1 to i32
    %sign3A_268 = arith.subi %sign3A_264, %sign3A_267 : i32
    %ne3A_269 = arith.cmpi ne, %sign3A_261, %sign3A_268 : i32
    %rem3A_270 = arith.remsi %add3A_209, %jit3A_253 : i32
    %ne3A_271 = arith.constant 0 : i32
    %ne3A_272 = arith.cmpi ne, %rem3A_270, %ne3A_271 : i32
    %and3A_273 = arith.andi %ne3A_269, %ne3A_272 : i1
    %sub3A_274 = arith.constant 1 : i32
    %sub3A_275 = arith.subi %div3A_254, %sub3A_274 : i32
    %select_n3A_276 = arith.select %and3A_273, %sub3A_275, %div3A_254 : i32
    %jit3A_277 = arith.constant 32 : i32
    %eq3A_278 = arith.constant 0 : i32
    %eq3A_279 = arith.cmpi eq, %jit3A_277, %eq3A_278 : i32
    %jit3A_280 = arith.constant 1 : i32
    %select_n3A_281 = arith.select %eq3A_279, %jit3A_280, %jit3A_277 : i32
    %rem3A_282 = arith.remsi %select_n3A_276, %select_n3A_281 : i32
    %ne3A_283 = arith.constant 0 : i32
    %ne3A_284 = arith.cmpi ne, %rem3A_282, %ne3A_283 : i32
    %lt3A_285 = arith.constant 0 : i32
    %lt3A_286 = arith.cmpi slt, %rem3A_282, %lt3A_285 : i32
    %lt3A_287 = arith.constant 0 : i32
    %lt3A_288 = arith.cmpi slt, %select_n3A_281, %lt3A_287 : i32
    %ne3A_289 = arith.xori %lt3A_286, %lt3A_288 : i1
    %and3A_290 = arith.andi %ne3A_289, %ne3A_284 : i1
    %add3A_291 = arith.addi %rem3A_282, %select_n3A_281 : i32
    %select_n3A_292 = arith.select %and3A_290, %add3A_291, %rem3A_282 : i32
    %mul3A_293 = arith.constant 32 : i32
    %mul3A_294 = arith.muli %add3A_252, %mul3A_293 : i32
    %add3A_295 = arith.addi %mul3A_294, %select_n3A_292 : i32
    %mul3A_296 = arith.constant 128 : i32
    %mul3A_297 = arith.muli %add3A_295, %mul3A_296 : i32
    %dma_start3A_298 = arith.constant 1 : i32
    %dma_start3A_299 = arith.constant 1 : i32
    %dma_start3A_300 = arith.constant 0 : i32
    %dma_start3A_301 = arith.constant 0 : i32
    %dma_start3A_302 = tpu.memref_slice %arg6[%dma_start3A_298, %dma_start3A_300, %dma_start3A_301] : memref<4x128x128xf32, #tpu.memory_space<vmem>> -> memref<1x128x128xf32, #tpu.memory_space<vmem>>
    %dma_start3A_303 = tpu.memref_squeeze %dma_start3A_302 : memref<1x128x128xf32, #tpu.memory_space<vmem>> -> memref<128x128xf32, #tpu.memory_space<vmem>>
    %dma_start3A_304 = arith.constant 0 : i32
    %dma_start3A_305 = tpu.memref_slice %arg4[%mul3A_297, %dma_start3A_304] : memref<819200x128xf32, #tpu.memory_space<hbm>> -> memref<128x128xf32, #tpu.memory_space<hbm>>
    %dma_start3A_306 = tpu.memref_slice %arg8[%dma_start3A_299] : memref<4x!tpu.dma_semaphore, #tpu.memory_space<semaphore_mem>> -> memref<1x!tpu.dma_semaphore, #tpu.memory_space<semaphore_mem>>
    %dma_start3A_307 = tpu.memref_squeeze %dma_start3A_306 : memref<1x!tpu.dma_semaphore, #tpu.memory_space<semaphore_mem>> -> memref<!tpu.dma_semaphore, #tpu.memory_space<semaphore_mem>>
    %dma_start3A_308 = arith.constant 0 : i32
    %dma_start3A_309 = tpu.memref_slice %arg4[%mul3A_297, %dma_start3A_308] : memref<819200x128xf32, #tpu.memory_space<hbm>> -> memref<128x128xf32, #tpu.memory_space<hbm>>
    %dma_start3A_310 = arith.constant 0 : i32
    %dma_start3A_311 = arith.constant 0 : i32
    %dma_start3A_312 = tpu.memref_slice %arg6[%dma_start3A_298, %dma_start3A_310, %dma_start3A_311] : memref<4x128x128xf32, #tpu.memory_space<vmem>> -> memref<1x128x128xf32, #tpu.memory_space<vmem>>
    %dma_start3A_313 = tpu.memref_squeeze %dma_start3A_312 : memref<1x128x128xf32, #tpu.memory_space<vmem>> -> memref<128x128xf32, #tpu.memory_space<vmem>>
    tpu.enqueue_dma source(%dma_start3A_313 : memref<128x128xf32, #tpu.memory_space<vmem>>) target(%dma_start3A_309 : memref<128x128xf32, #tpu.memory_space<hbm>>) target_semaphore(%dma_start3A_307 : memref<!tpu.dma_semaphore, #tpu.memory_space<semaphore_mem>>)
    %dma_wait3A_314 = arith.constant 1 : i32
    %dma_wait3A_315 = arith.constant 1 : i32
    %dma_wait3A_316 = arith.constant 0 : i32
    %dma_wait3A_317 = arith.constant 0 : i32
    %dma_wait3A_318 = tpu.memref_slice %arg6[%dma_wait3A_314, %dma_wait3A_316, %dma_wait3A_317] : memref<4x128x128xf32, #tpu.memory_space<vmem>> -> memref<1x128x128xf32, #tpu.memory_space<vmem>>
    %dma_wait3A_319 = tpu.memref_squeeze %dma_wait3A_318 : memref<1x128x128xf32, #tpu.memory_space<vmem>> -> memref<128x128xf32, #tpu.memory_space<vmem>>
    %dma_wait3A_320 = arith.constant 0 : i32
    %dma_wait3A_321 = tpu.memref_slice %arg4[%mul3A_297, %dma_wait3A_320] : memref<819200x128xf32, #tpu.memory_space<hbm>> -> memref<128x128xf32, #tpu.memory_space<hbm>>
    %dma_wait3A_322 = tpu.memref_slice %arg8[%dma_wait3A_315] : memref<4x!tpu.dma_semaphore, #tpu.memory_space<semaphore_mem>> -> memref<1x!tpu.dma_semaphore, #tpu.memory_space<semaphore_mem>>
    %dma_wait3A_323 = tpu.memref_squeeze %dma_wait3A_322 : memref<1x!tpu.dma_semaphore, #tpu.memory_space<semaphore_mem>> -> memref<!tpu.dma_semaphore, #tpu.memory_space<semaphore_mem>>
    %dma_wait3A_324 = arith.constant 0 : i32
    %dma_wait3A_325 = tpu.memref_slice %arg4[%mul3A_297, %dma_wait3A_324] : memref<819200x128xf32, #tpu.memory_space<hbm>> -> memref<128x128xf32, #tpu.memory_space<hbm>>
    %dma_wait3A_326 = arith.constant 0 : i32
    %dma_wait3A_327 = arith.constant 0 : i32
    %dma_wait3A_328 = tpu.memref_slice %arg6[%dma_wait3A_314, %dma_wait3A_326, %dma_wait3A_327] : memref<4x128x128xf32, #tpu.memory_space<vmem>> -> memref<1x128x128xf32, #tpu.memory_space<vmem>>
    %dma_wait3A_329 = tpu.memref_squeeze %dma_wait3A_328 : memref<1x128x128xf32, #tpu.memory_space<vmem>> -> memref<128x128xf32, #tpu.memory_space<vmem>>
    tpu.wait_dma2 semaphore(%dma_wait3A_323 : memref<!tpu.dma_semaphore, #tpu.memory_space<semaphore_mem>>) src(%dma_wait3A_329 : memref<128x128xf32, #tpu.memory_space<vmem>>) dst(%dma_wait3A_325 : memref<128x128xf32, #tpu.memory_space<hbm>>)
    %dma_wait3A_330 = arith.constant 198 : i32
    %dma_wait3A_331 = arith.constant 2 : i32
    %dma_wait3A_332 = arith.constant 2 : i32
    %dma_wait3A_333 = arith.constant 0 : i32
    %dma_wait3A_334 = arith.constant 0 : i32
    %dma_wait3A_335 = tpu.memref_slice %arg6[%dma_wait3A_331, %dma_wait3A_333, %dma_wait3A_334] : memref<4x128x128xf32, #tpu.memory_space<vmem>> -> memref<1x128x128xf32, #tpu.memory_space<vmem>>
    %dma_wait3A_336 = tpu.memref_squeeze %dma_wait3A_335 : memref<1x128x128xf32, #tpu.memory_space<vmem>> -> memref<128x128xf32, #tpu.memory_space<vmem>>
    %dma_wait3A_337 = arith.constant 0 : i32
    %dma_wait3A_338 = tpu.memref_slice %arg5[%dma_wait3A_330, %dma_wait3A_337] : memref<200x128xi32, #tpu.memory_space<vmem>> -> memref<1x128xi32, #tpu.memory_space<vmem>>
    %dma_wait3A_339 = tpu.memref_squeeze %dma_wait3A_338 : memref<1x128xi32, #tpu.memory_space<vmem>> -> memref<128xi32, #tpu.memory_space<vmem>>
    %dma_wait3A_340 = arith.constant 0 : i32
    %dma_wait3A_341 = arith.constant 0 : i32
    %dma_wait3A_342 = tpu.memref_slice %arg3[%dma_wait3A_340, %dma_wait3A_341] : memref<1000000x128xf32, #tpu.memory_space<hbm>> -> memref<1000000x128xf32, #tpu.memory_space<hbm>>
    %dma_wait3A_343 = tpu.memref_slice %arg7[%dma_wait3A_332] : memref<4x!tpu.dma_semaphore, #tpu.memory_space<semaphore_mem>> -> memref<1x!tpu.dma_semaphore, #tpu.memory_space<semaphore_mem>>
    %dma_wait3A_344 = tpu.memref_squeeze %dma_wait3A_343 : memref<1x!tpu.dma_semaphore, #tpu.memory_space<semaphore_mem>> -> memref<!tpu.dma_semaphore, #tpu.memory_space<semaphore_mem>>
    tpu.wait_indirect_dma semaphore(%dma_wait3A_344 : memref<!tpu.dma_semaphore, #tpu.memory_space<semaphore_mem>>) src(%dma_wait3A_342 : memref<1000000x128xf32, #tpu.memory_space<hbm>>) dst(%dma_wait3A_336 : memref<128x128xf32, #tpu.memory_space<vmem>>)
    %add3A_345 = arith.constant 198 : i32
    %add3A_346 = arith.addi %mul3A_2, %add3A_345 : i32
    %jit3A_347 = arith.constant 256 : i32
    %div3A_348 = arith.divsi %add3A_346, %jit3A_347 : i32
    %sign3A_349 = arith.constant 0 : i32
    %sign3A_350 = arith.cmpi sgt, %add3A_346, %sign3A_349 : i32
    %sign3A_351 = arith.extui %sign3A_350 : i1 to i32
    %sign3A_352 = arith.constant 0 : i32
    %sign3A_353 = arith.cmpi slt, %add3A_346, %sign3A_352 : i32
    %sign3A_354 = arith.extui %sign3A_353 : i1 to i32
    %sign3A_355 = arith.subi %sign3A_351, %sign3A_354 : i32
    %sign3A_356 = arith.constant 0 : i32
    %sign3A_357 = arith.cmpi sgt, %jit3A_347, %sign3A_356 : i32
    %sign3A_358 = arith.extui %sign3A_357 : i1 to i32
    %sign3A_359 = arith.constant 0 : i32
    %sign3A_360 = arith.cmpi slt, %jit3A_347, %sign3A_359 : i32
    %sign3A_361 = arith.extui %sign3A_360 : i1 to i32
    %sign3A_362 = arith.subi %sign3A_358, %sign3A_361 : i32
    %ne3A_363 = arith.cmpi ne, %sign3A_355, %sign3A_362 : i32
    %rem3A_364 = arith.remsi %add3A_346, %jit3A_347 : i32
    %ne3A_365 = arith.constant 0 : i32
    %ne3A_366 = arith.cmpi ne, %rem3A_364, %ne3A_365 : i32
    %and3A_367 = arith.andi %ne3A_363, %ne3A_366 : i1
    %sub3A_368 = arith.constant 1 : i32
    %sub3A_369 = arith.subi %div3A_348, %sub3A_368 : i32
    %select_n3A_370 = arith.select %and3A_367, %sub3A_369, %div3A_348 : i32
    %mul3A_371 = arith.constant 8 : i32
    %mul3A_372 = arith.muli %select_n3A_370, %mul3A_371 : i32
    %jit3A_373 = arith.constant 8 : i32
    %eq3A_374 = arith.constant 0 : i32
    %eq3A_375 = arith.cmpi eq, %jit3A_373, %eq3A_374 : i32
    %jit3A_376 = arith.constant 1 : i32
    %select_n3A_377 = arith.select %eq3A_375, %jit3A_376, %jit3A_373 : i32
    %rem3A_378 = arith.remsi %add3A_346, %select_n3A_377 : i32
    %ne3A_379 = arith.constant 0 : i32
    %ne3A_380 = arith.cmpi ne, %rem3A_378, %ne3A_379 : i32
    %lt3A_381 = arith.constant 0 : i32
    %lt3A_382 = arith.cmpi slt, %rem3A_378, %lt3A_381 : i32
    %lt3A_383 = arith.constant 0 : i32
    %lt3A_384 = arith.cmpi slt, %select_n3A_377, %lt3A_383 : i32
    %ne3A_385 = arith.xori %lt3A_382, %lt3A_384 : i1
    %and3A_386 = arith.andi %ne3A_385, %ne3A_380 : i1
    %add3A_387 = arith.addi %rem3A_378, %select_n3A_377 : i32
    %select_n3A_388 = arith.select %and3A_386, %add3A_387, %rem3A_378 : i32
    %add3A_389 = arith.addi %mul3A_372, %select_n3A_388 : i32
    %jit3A_390 = arith.constant 8 : i32
    %div3A_391 = arith.divsi %add3A_346, %jit3A_390 : i32
    %sign3A_392 = arith.constant 0 : i32
    %sign3A_393 = arith.cmpi sgt, %add3A_346, %sign3A_392 : i32
    %sign3A_394 = arith.extui %sign3A_393 : i1 to i32
    %sign3A_395 = arith.constant 0 : i32
    %sign3A_396 = arith.cmpi slt, %add3A_346, %sign3A_395 : i32
    %sign3A_397 = arith.extui %sign3A_396 : i1 to i32
    %sign3A_398 = arith.subi %sign3A_394, %sign3A_397 : i32
    %sign3A_399 = arith.constant 0 : i32
    %sign3A_400 = arith.cmpi sgt, %jit3A_390, %sign3A_399 : i32
    %sign3A_401 = arith.extui %sign3A_400 : i1 to i32
    %sign3A_402 = arith.constant 0 : i32
    %sign3A_403 = arith.cmpi slt, %jit3A_390, %sign3A_402 : i32
    %sign3A_404 = arith.extui %sign3A_403 : i1 to i32
    %sign3A_405 = arith.subi %sign3A_401, %sign3A_404 : i32
    %ne3A_406 = arith.cmpi ne, %sign3A_398, %sign3A_405 : i32
    %rem3A_407 = arith.remsi %add3A_346, %jit3A_390 : i32
    %ne3A_408 = arith.constant 0 : i32
    %ne3A_409 = arith.cmpi ne, %rem3A_407, %ne3A_408 : i32
    %and3A_410 = arith.andi %ne3A_406, %ne3A_409 : i1
    %sub3A_411 = arith.constant 1 : i32
    %sub3A_412 = arith.subi %div3A_391, %sub3A_411 : i32
    %select_n3A_413 = arith.select %and3A_410, %sub3A_412, %div3A_391 : i32
    %jit3A_414 = arith.constant 32 : i32
    %eq3A_415 = arith.constant 0 : i32
    %eq3A_416 = arith.cmpi eq, %jit3A_414, %eq3A_415 : i32
    %jit3A_417 = arith.constant 1 : i32
    %select_n3A_418 = arith.select %eq3A_416, %jit3A_417, %jit3A_414 : i32
    %rem3A_419 = arith.remsi %select_n3A_413, %select_n3A_418 : i32
    %ne3A_420 = arith.constant 0 : i32
    %ne3A_421 = arith.cmpi ne, %rem3A_419, %ne3A_420 : i32
    %lt3A_422 = arith.constant 0 : i32
    %lt3A_423 = arith.cmpi slt, %rem3A_419, %lt3A_422 : i32
    %lt3A_424 = arith.constant 0 : i32
    %lt3A_425 = arith.cmpi slt, %select_n3A_418, %lt3A_424 : i32
    %ne3A_426 = arith.xori %lt3A_423, %lt3A_425 : i1
    %and3A_427 = arith.andi %ne3A_426, %ne3A_421 : i1
    %add3A_428 = arith.addi %rem3A_419, %select_n3A_418 : i32
    %select_n3A_429 = arith.select %and3A_427, %add3A_428, %rem3A_419 : i32
    %mul3A_430 = arith.constant 32 : i32
    %mul3A_431 = arith.muli %add3A_389, %mul3A_430 : i32
    %add3A_432 = arith.addi %mul3A_431, %select_n3A_429 : i32
    %mul3A_433 = arith.constant 128 : i32
    %mul3A_434 = arith.muli %add3A_432, %mul3A_433 : i32
    %dma_start3A_435 = arith.constant 2 : i32
    %dma_start3A_436 = arith.constant 2 : i32
    %dma_start3A_437 = arith.constant 0 : i32
    %dma_start3A_438 = arith.constant 0 : i32
    %dma_start3A_439 = tpu.memref_slice %arg6[%dma_start3A_435, %dma_start3A_437, %dma_start3A_438] : memref<4x128x128xf32, #tpu.memory_space<vmem>> -> memref<1x128x128xf32, #tpu.memory_space<vmem>>
    %dma_start3A_440 = tpu.memref_squeeze %dma_start3A_439 : memref<1x128x128xf32, #tpu.memory_space<vmem>> -> memref<128x128xf32, #tpu.memory_space<vmem>>
    %dma_start3A_441 = arith.constant 0 : i32
    %dma_start3A_442 = tpu.memref_slice %arg4[%mul3A_434, %dma_start3A_441] : memref<819200x128xf32, #tpu.memory_space<hbm>> -> memref<128x128xf32, #tpu.memory_space<hbm>>
    %dma_start3A_443 = tpu.memref_slice %arg8[%dma_start3A_436] : memref<4x!tpu.dma_semaphore, #tpu.memory_space<semaphore_mem>> -> memref<1x!tpu.dma_semaphore, #tpu.memory_space<semaphore_mem>>
    %dma_start3A_444 = tpu.memref_squeeze %dma_start3A_443 : memref<1x!tpu.dma_semaphore, #tpu.memory_space<semaphore_mem>> -> memref<!tpu.dma_semaphore, #tpu.memory_space<semaphore_mem>>
    %dma_start3A_445 = arith.constant 0 : i32
    %dma_start3A_446 = tpu.memref_slice %arg4[%mul3A_434, %dma_start3A_445] : memref<819200x128xf32, #tpu.memory_space<hbm>> -> memref<128x128xf32, #tpu.memory_space<hbm>>
    %dma_start3A_447 = arith.constant 0 : i32
    %dma_start3A_448 = arith.constant 0 : i32
    %dma_start3A_449 = tpu.memref_slice %arg6[%dma_start3A_435, %dma_start3A_447, %dma_start3A_448] : memref<4x128x128xf32, #tpu.memory_space<vmem>> -> memref<1x128x128xf32, #tpu.memory_space<vmem>>
    %dma_start3A_450 = tpu.memref_squeeze %dma_start3A_449 : memref<1x128x128xf32, #tpu.memory_space<vmem>> -> memref<128x128xf32, #tpu.memory_space<vmem>>
    tpu.enqueue_dma source(%dma_start3A_450 : memref<128x128xf32, #tpu.memory_space<vmem>>) target(%dma_start3A_446 : memref<128x128xf32, #tpu.memory_space<hbm>>) target_semaphore(%dma_start3A_444 : memref<!tpu.dma_semaphore, #tpu.memory_space<semaphore_mem>>)
    %dma_wait3A_451 = arith.constant 2 : i32
    %dma_wait3A_452 = arith.constant 2 : i32
    %dma_wait3A_453 = arith.constant 0 : i32
    %dma_wait3A_454 = arith.constant 0 : i32
    %dma_wait3A_455 = tpu.memref_slice %arg6[%dma_wait3A_451, %dma_wait3A_453, %dma_wait3A_454] : memref<4x128x128xf32, #tpu.memory_space<vmem>> -> memref<1x128x128xf32, #tpu.memory_space<vmem>>
    %dma_wait3A_456 = tpu.memref_squeeze %dma_wait3A_455 : memref<1x128x128xf32, #tpu.memory_space<vmem>> -> memref<128x128xf32, #tpu.memory_space<vmem>>
    %dma_wait3A_457 = arith.constant 0 : i32
    %dma_wait3A_458 = tpu.memref_slice %arg4[%mul3A_434, %dma_wait3A_457] : memref<819200x128xf32, #tpu.memory_space<hbm>> -> memref<128x128xf32, #tpu.memory_space<hbm>>
    %dma_wait3A_459 = tpu.memref_slice %arg8[%dma_wait3A_452] : memref<4x!tpu.dma_semaphore, #tpu.memory_space<semaphore_mem>> -> memref<1x!tpu.dma_semaphore, #tpu.memory_space<semaphore_mem>>
    %dma_wait3A_460 = tpu.memref_squeeze %dma_wait3A_459 : memref<1x!tpu.dma_semaphore, #tpu.memory_space<semaphore_mem>> -> memref<!tpu.dma_semaphore, #tpu.memory_space<semaphore_mem>>
    %dma_wait3A_461 = arith.constant 0 : i32
    %dma_wait3A_462 = tpu.memref_slice %arg4[%mul3A_434, %dma_wait3A_461] : memref<819200x128xf32, #tpu.memory_space<hbm>> -> memref<128x128xf32, #tpu.memory_space<hbm>>
    %dma_wait3A_463 = arith.constant 0 : i32
    %dma_wait3A_464 = arith.constant 0 : i32
    %dma_wait3A_465 = tpu.memref_slice %arg6[%dma_wait3A_451, %dma_wait3A_463, %dma_wait3A_464] : memref<4x128x128xf32, #tpu.memory_space<vmem>> -> memref<1x128x128xf32, #tpu.memory_space<vmem>>
    %dma_wait3A_466 = tpu.memref_squeeze %dma_wait3A_465 : memref<1x128x128xf32, #tpu.memory_space<vmem>> -> memref<128x128xf32, #tpu.memory_space<vmem>>
    tpu.wait_dma2 semaphore(%dma_wait3A_460 : memref<!tpu.dma_semaphore, #tpu.memory_space<semaphore_mem>>) src(%dma_wait3A_466 : memref<128x128xf32, #tpu.memory_space<vmem>>) dst(%dma_wait3A_462 : memref<128x128xf32, #tpu.memory_space<hbm>>)
    %dma_wait3A_467 = arith.constant 199 : i32
    %dma_wait3A_468 = arith.constant 3 : i32
    %dma_wait3A_469 = arith.constant 3 : i32
    %dma_wait3A_470 = arith.constant 0 : i32
    %dma_wait3A_471 = arith.constant 0 : i32
    %dma_wait3A_472 = tpu.memref_slice %arg6[%dma_wait3A_468, %dma_wait3A_470, %dma_wait3A_471] : memref<4x128x128xf32, #tpu.memory_space<vmem>> -> memref<1x128x128xf32, #tpu.memory_space<vmem>>
    %dma_wait3A_473 = tpu.memref_squeeze %dma_wait3A_472 : memref<1x128x128xf32, #tpu.memory_space<vmem>> -> memref<128x128xf32, #tpu.memory_space<vmem>>
    %dma_wait3A_474 = arith.constant 0 : i32
    %dma_wait3A_475 = tpu.memref_slice %arg5[%dma_wait3A_467, %dma_wait3A_474] : memref<200x128xi32, #tpu.memory_space<vmem>> -> memref<1x128xi32, #tpu.memory_space<vmem>>
    %dma_wait3A_476 = tpu.memref_squeeze %dma_wait3A_475 : memref<1x128xi32, #tpu.memory_space<vmem>> -> memref<128xi32, #tpu.memory_space<vmem>>
    %dma_wait3A_477 = arith.constant 0 : i32
    %dma_wait3A_478 = arith.constant 0 : i32
    %dma_wait3A_479 = tpu.memref_slice %arg3[%dma_wait3A_477, %dma_wait3A_478] : memref<1000000x128xf32, #tpu.memory_space<hbm>> -> memref<1000000x128xf32, #tpu.memory_space<hbm>>
    %dma_wait3A_480 = tpu.memref_slice %arg7[%dma_wait3A_469] : memref<4x!tpu.dma_semaphore, #tpu.memory_space<semaphore_mem>> -> memref<1x!tpu.dma_semaphore, #tpu.memory_space<semaphore_mem>>
    %dma_wait3A_481 = tpu.memref_squeeze %dma_wait3A_480 : memref<1x!tpu.dma_semaphore, #tpu.memory_space<semaphore_mem>> -> memref<!tpu.dma_semaphore, #tpu.memory_space<semaphore_mem>>
    tpu.wait_indirect_dma semaphore(%dma_wait3A_481 : memref<!tpu.dma_semaphore, #tpu.memory_space<semaphore_mem>>) src(%dma_wait3A_479 : memref<1000000x128xf32, #tpu.memory_space<hbm>>) dst(%dma_wait3A_473 : memref<128x128xf32, #tpu.memory_space<vmem>>)
    %add3A_482 = arith.constant 199 : i32
    %add3A_483 = arith.addi %mul3A_2, %add3A_482 : i32
    %jit3A_484 = arith.constant 256 : i32
    %div3A_485 = arith.divsi %add3A_483, %jit3A_484 : i32
    %sign3A_486 = arith.constant 0 : i32
    %sign3A_487 = arith.cmpi sgt, %add3A_483, %sign3A_486 : i32
    %sign3A_488 = arith.extui %sign3A_487 : i1 to i32
    %sign3A_489 = arith.constant 0 : i32
    %sign3A_490 = arith.cmpi slt, %add3A_483, %sign3A_489 : i32
    %sign3A_491 = arith.extui %sign3A_490 : i1 to i32
    %sign3A_492 = arith.subi %sign3A_488, %sign3A_491 : i32
    %sign3A_493 = arith.constant 0 : i32
    %sign3A_494 = arith.cmpi sgt, %jit3A_484, %sign3A_493 : i32
    %sign3A_495 = arith.extui %sign3A_494 : i1 to i32
    %sign3A_496 = arith.constant 0 : i32
    %sign3A_497 = arith.cmpi slt, %jit3A_484, %sign3A_496 : i32
    %sign3A_498 = arith.extui %sign3A_497 : i1 to i32
    %sign3A_499 = arith.subi %sign3A_495, %sign3A_498 : i32
    %ne3A_500 = arith.cmpi ne, %sign3A_492, %sign3A_499 : i32
    %rem3A_501 = arith.remsi %add3A_483, %jit3A_484 : i32
    %ne3A_502 = arith.constant 0 : i32
    %ne3A_503 = arith.cmpi ne, %rem3A_501, %ne3A_502 : i32
    %and3A_504 = arith.andi %ne3A_500, %ne3A_503 : i1
    %sub3A_505 = arith.constant 1 : i32
    %sub3A_506 = arith.subi %div3A_485, %sub3A_505 : i32
    %select_n3A_507 = arith.select %and3A_504, %sub3A_506, %div3A_485 : i32
    %mul3A_508 = arith.constant 8 : i32
    %mul3A_509 = arith.muli %select_n3A_507, %mul3A_508 : i32
    %jit3A_510 = arith.constant 8 : i32
    %eq3A_511 = arith.constant 0 : i32
    %eq3A_512 = arith.cmpi eq, %jit3A_510, %eq3A_511 : i32
    %jit3A_513 = arith.constant 1 : i32
    %select_n3A_514 = arith.select %eq3A_512, %jit3A_513, %jit3A_510 : i32
    %rem3A_515 = arith.remsi %add3A_483, %select_n3A_514 : i32
    %ne3A_516 = arith.constant 0 : i32
    %ne3A_517 = arith.cmpi ne, %rem3A_515, %ne3A_516 : i32
    %lt3A_518 = arith.constant 0 : i32
    %lt3A_519 = arith.cmpi slt, %rem3A_515, %lt3A_518 : i32
    %lt3A_520 = arith.constant 0 : i32
    %lt3A_521 = arith.cmpi slt, %select_n3A_514, %lt3A_520 : i32
    %ne3A_522 = arith.xori %lt3A_519, %lt3A_521 : i1
    %and3A_523 = arith.andi %ne3A_522, %ne3A_517 : i1
    %add3A_524 = arith.addi %rem3A_515, %select_n3A_514 : i32
    %select_n3A_525 = arith.select %and3A_523, %add3A_524, %rem3A_515 : i32
    %add3A_526 = arith.addi %mul3A_509, %select_n3A_525 : i32
    %jit3A_527 = arith.constant 8 : i32
    %div3A_528 = arith.divsi %add3A_483, %jit3A_527 : i32
    %sign3A_529 = arith.constant 0 : i32
    %sign3A_530 = arith.cmpi sgt, %add3A_483, %sign3A_529 : i32
    %sign3A_531 = arith.extui %sign3A_530 : i1 to i32
    %sign3A_532 = arith.constant 0 : i32
    %sign3A_533 = arith.cmpi slt, %add3A_483, %sign3A_532 : i32
    %sign3A_534 = arith.extui %sign3A_533 : i1 to i32
    %sign3A_535 = arith.subi %sign3A_531, %sign3A_534 : i32
    %sign3A_536 = arith.constant 0 : i32
    %sign3A_537 = arith.cmpi sgt, %jit3A_527, %sign3A_536 : i32
    %sign3A_538 = arith.extui %sign3A_537 : i1 to i32
    %sign3A_539 = arith.constant 0 : i32
    %sign3A_540 = arith.cmpi slt, %jit3A_527, %sign3A_539 : i32
    %sign3A_541 = arith.extui %sign3A_540 : i1 to i32
    %sign3A_542 = arith.subi %sign3A_538, %sign3A_541 : i32
    %ne3A_543 = arith.cmpi ne, %sign3A_535, %sign3A_542 : i32
    %rem3A_544 = arith.remsi %add3A_483, %jit3A_527 : i32
    %ne3A_545 = arith.constant 0 : i32
    %ne3A_546 = arith.cmpi ne, %rem3A_544, %ne3A_545 : i32
    %and3A_547 = arith.andi %ne3A_543, %ne3A_546 : i1
    %sub3A_548 = arith.constant 1 : i32
    %sub3A_549 = arith.subi %div3A_528, %sub3A_548 : i32
    %select_n3A_550 = arith.select %and3A_547, %sub3A_549, %div3A_528 : i32
    %jit3A_551 = arith.constant 32 : i32
    %eq3A_552 = arith.constant 0 : i32
    %eq3A_553 = arith.cmpi eq, %jit3A_551, %eq3A_552 : i32
    %jit3A_554 = arith.constant 1 : i32
    %select_n3A_555 = arith.select %eq3A_553, %jit3A_554, %jit3A_551 : i32
    %rem3A_556 = arith.remsi %select_n3A_550, %select_n3A_555 : i32
    %ne3A_557 = arith.constant 0 : i32
    %ne3A_558 = arith.cmpi ne, %rem3A_556, %ne3A_557 : i32
    %lt3A_559 = arith.constant 0 : i32
    %lt3A_560 = arith.cmpi slt, %rem3A_556, %lt3A_559 : i32
    %lt3A_561 = arith.constant 0 : i32
    %lt3A_562 = arith.cmpi slt, %select_n3A_555, %lt3A_561 : i32
    %ne3A_563 = arith.xori %lt3A_560, %lt3A_562 : i1
    %and3A_564 = arith.andi %ne3A_563, %ne3A_558 : i1
    %add3A_565 = arith.addi %rem3A_556, %select_n3A_555 : i32
    %select_n3A_566 = arith.select %and3A_564, %add3A_565, %rem3A_556 : i32
    %mul3A_567 = arith.constant 32 : i32
    %mul3A_568 = arith.muli %add3A_526, %mul3A_567 : i32
    %add3A_569 = arith.addi %mul3A_568, %select_n3A_566 : i32
    %mul3A_570 = arith.constant 128 : i32
    %mul3A_571 = arith.muli %add3A_569, %mul3A_570 : i32
    %dma_start3A_572 = arith.constant 3 : i32
    %dma_start3A_573 = arith.constant 3 : i32
    %dma_start3A_574 = arith.constant 0 : i32
    %dma_start3A_575 = arith.constant 0 : i32
    %dma_start3A_576 = tpu.memref_slice %arg6[%dma_start3A_572, %dma_start3A_574, %dma_start3A_575] : memref<4x128x128xf32, #tpu.memory_space<vmem>> -> memref<1x128x128xf32, #tpu.memory_space<vmem>>
    %dma_start3A_577 = tpu.memref_squeeze %dma_start3A_576 : memref<1x128x128xf32, #tpu.memory_space<vmem>> -> memref<128x128xf32, #tpu.memory_space<vmem>>
    %dma_start3A_578 = arith.constant 0 : i32
    %dma_start3A_579 = tpu.memref_slice %arg4[%mul3A_571, %dma_start3A_578] : memref<819200x128xf32, #tpu.memory_space<hbm>> -> memref<128x128xf32, #tpu.memory_space<hbm>>
    %dma_start3A_580 = tpu.memref_slice %arg8[%dma_start3A_573] : memref<4x!tpu.dma_semaphore, #tpu.memory_space<semaphore_mem>> -> memref<1x!tpu.dma_semaphore, #tpu.memory_space<semaphore_mem>>
    %dma_start3A_581 = tpu.memref_squeeze %dma_start3A_580 : memref<1x!tpu.dma_semaphore, #tpu.memory_space<semaphore_mem>> -> memref<!tpu.dma_semaphore, #tpu.memory_space<semaphore_mem>>
    %dma_start3A_582 = arith.constant 0 : i32
    %dma_start3A_583 = tpu.memref_slice %arg4[%mul3A_571, %dma_start3A_582] : memref<819200x128xf32, #tpu.memory_space<hbm>> -> memref<128x128xf32, #tpu.memory_space<hbm>>
    %dma_start3A_584 = arith.constant 0 : i32
    %dma_start3A_585 = arith.constant 0 : i32
    %dma_start3A_586 = tpu.memref_slice %arg6[%dma_start3A_572, %dma_start3A_584, %dma_start3A_585] : memref<4x128x128xf32, #tpu.memory_space<vmem>> -> memref<1x128x128xf32, #tpu.memory_space<vmem>>
    %dma_start3A_587 = tpu.memref_squeeze %dma_start3A_586 : memref<1x128x128xf32, #tpu.memory_space<vmem>> -> memref<128x128xf32, #tpu.memory_space<vmem>>
    tpu.enqueue_dma source(%dma_start3A_587 : memref<128x128xf32, #tpu.memory_space<vmem>>) target(%dma_start3A_583 : memref<128x128xf32, #tpu.memory_space<hbm>>) target_semaphore(%dma_start3A_581 : memref<!tpu.dma_semaphore, #tpu.memory_space<semaphore_mem>>)
    %dma_wait3A_588 = arith.constant 3 : i32
    %dma_wait3A_589 = arith.constant 3 : i32
    %dma_wait3A_590 = arith.constant 0 : i32
    %dma_wait3A_591 = arith.constant 0 : i32
    %dma_wait3A_592 = tpu.memref_slice %arg6[%dma_wait3A_588, %dma_wait3A_590, %dma_wait3A_591] : memref<4x128x128xf32, #tpu.memory_space<vmem>> -> memref<1x128x128xf32, #tpu.memory_space<vmem>>
    %dma_wait3A_593 = tpu.memref_squeeze %dma_wait3A_592 : memref<1x128x128xf32, #tpu.memory_space<vmem>> -> memref<128x128xf32, #tpu.memory_space<vmem>>
    %dma_wait3A_594 = arith.constant 0 : i32
    %dma_wait3A_595 = tpu.memref_slice %arg4[%mul3A_571, %dma_wait3A_594] : memref<819200x128xf32, #tpu.memory_space<hbm>> -> memref<128x128xf32, #tpu.memory_space<hbm>>
    %dma_wait3A_596 = tpu.memref_slice %arg8[%dma_wait3A_589] : memref<4x!tpu.dma_semaphore, #tpu.memory_space<semaphore_mem>> -> memref<1x!tpu.dma_semaphore, #tpu.memory_space<semaphore_mem>>
    %dma_wait3A_597 = tpu.memref_squeeze %dma_wait3A_596 : memref<1x!tpu.dma_semaphore, #tpu.memory_space<semaphore_mem>> -> memref<!tpu.dma_semaphore, #tpu.memory_space<semaphore_mem>>
    %dma_wait3A_598 = arith.constant 0 : i32
    %dma_wait3A_599 = tpu.memref_slice %arg4[%mul3A_571, %dma_wait3A_598] : memref<819200x128xf32, #tpu.memory_space<hbm>> -> memref<128x128xf32, #tpu.memory_space<hbm>>
    %dma_wait3A_600 = arith.constant 0 : i32
    %dma_wait3A_601 = arith.constant 0 : i32
    %dma_wait3A_602 = tpu.memref_slice %arg6[%dma_wait3A_588, %dma_wait3A_600, %dma_wait3A_601] : memref<4x128x128xf32, #tpu.memory_space<vmem>> -> memref<1x128x128xf32, #tpu.memory_space<vmem>>
    %dma_wait3A_603 = tpu.memref_squeeze %dma_wait3A_602 : memref<1x128x128xf32, #tpu.memory_space<vmem>> -> memref<128x128xf32, #tpu.memory_space<vmem>>
    tpu.wait_dma2 semaphore(%dma_wait3A_597 : memref<!tpu.dma_semaphore, #tpu.memory_space<semaphore_mem>>) src(%dma_wait3A_603 : memref<128x128xf32, #tpu.memory_space<vmem>>) dst(%dma_wait3A_599 : memref<128x128xf32, #tpu.memory_space<hbm>>)
    return
  }
}

</mosaic_0001>

<sc_bundles>
// kernel: kernel.3.cloned.1.call-start
scs
__scs_entry_jumppad:
0x0: {  	(pc) =	sbr.rel $0x88, $3  }
0x1: {  	(tag) =	ssettag $0x0;
	lr =	simm.s32 $0x1  }
0x2: {  	[smem:$0x3F9F] =	sst lr;
	_ =	strace $0xD0000000  }
0x3: {  	_ = 	snop  }
0x4: {  	_ = 	snop  }
0x5: {  	_ = 	snop  }
0x6: {  	_ = 	snop  }
0x7: {  	_ = 	snop  }
__scs_overlays_trampoline_lowered:
0x8: {  	[smem:$0x3FAE] =	sst s0  }
0x9: {  	[smem:$0x3FAF] =	sst s1  }
0xa: {  	[smem:$0x3FB0] =	sst s2  }
0xb: {  	[smem:$0x3FB1] =	sst s3  }
0xc: {  	[smem:$0x3FB2] =	sst s4  }
0xd: {  	[smem:$0x3FB3] =	sst s5  }
0xe: {  	[smem:$0x3FB4] =	sst s6  }
0xf: {  	[smem:$0x3FB5] =	sst s7  }
0x10: {  	[smem:$0x3FB6] =	sst s8  }
0x11: {  	[smem:$0x3FB7] =	sst s9;
	s0 =	simm.s32 @!p0 $0x0  }
0x12: {  	s1 =	sld [smem:$0x3F9D];
	s0 =	simm.s32 @p0 $0x1  }
0x13: {  	[smem:$0x3FB8] =	sst s0;
	s0 =	simm.s32 @!p1 $0x0  }
0x14: {  	s2 =	sld [smem:$0x3F9C];
	s0 =	simm.s32 @p1 $0x1  }
0x15: {  	[smem:$0x3FB9] =	sst s0;
	s0 =	simm.s32 @!p2 $0x0  }
0x16: {  	s3 =	sld [smem:$0x3FDB];
	s0 =	simm.s32 @p2 $0x1  }
0x17: {  	s4 =	simm.s32 $0x1BF5;
	[smem:$0x3FBB] =	sst s0  }
0x18: {  	s0 =	sld [smem:$0x3F9E];
	_ =	swait.ge [sflag:s4], $0x0  }
0x19: {  	s7 =	sld [smem:$0x3F9F]  }
0x1a: {  	s8 =	sadd.s32 $0xFFFFE003, lr  }
0x1b: {  	s9 =	sadd.s32 $0xFFFFFEF7, lr;
	s5 =	simm.s32 $0xFFFFFFFF;
	p2 =	slt.u32 s8, $0xFFFFF086  }
0x1c: {  	p1 =	slt.u32 s9, $0xF7A;
	s5 =	simm.s32 @!p2 $0x0  }
0x1d: {  	s5 =	simm.s32 @p1 $0x1;
	p0 =	seq.s32 s7, s2  }
0x1e: {  	s7 =	smul.u32 @!p0 $0xF7A, s2;
	p2 =	seq.s32 @!p0 s5, $0x0  }
0x1f: {  	s9 =	smul.u32 $0xF7A, s1;
	s8 =	simm.s32 @!p0 $0x1BF5;
	p2 =	por !p2, p0  }
0x20: {  	[sflag:s8] =	ssyncset.s32 @!p0 $0xFFFFF086;
	s6 =	sadd.s32 @!p0 s3, s7;
	s7 =	simm.s32 @!p0 $0x108  }
0x21: {  	s3 =	sadd.s32 s3, s9;
	s6 =	sadd.s32 @!p0 $0x88, s6;
	s7 =	simm.s32 @p2 $0x1082  }
0x22: {  	[simem:s7], [sflag:s8] =	dma.local @!p0 [hbm:s6], $0xF7A  }
0x23: {  	s9 =	sor.u32 $0xD0000000, s2;
	s6 =	simm.s32 $0x108;
	_ =	swait.ge @!p0 [sflag:s8], $0x0  }
0x24: {  	s3 =	sadd.s32 $0x88, s3;
	s6 =	simm.s32 @!p1 $0x1082;
	[sflag:s4] =	ssyncset.s32 $0xFFFFF086  }
0x25: {  	[simem:s6], [sflag:s4] =	dma.local [hbm:s3], $0xF7A  }
0x26: {  	[smem:$0x3F9F] =	sst s1;
	(tag) =	ssettag s2;
	_ =	strace s9  }
0x27: {  	s1 =	sld [smem:$0x3FAF]  }
0x28: {  	s2 =	sld [smem:$0x3FB0]  }
0x29: {  	s4 =	sld [smem:$0x3FB2]  }
0x2a: {  	p0 =	seq.s32 s5, $0x0;
	s5 =	sld [smem:$0x3FB3]  }
0x2b: {  	s6 =	sld [smem:$0x3FB4]  }
0x2c: {  	s7 =	sld [smem:$0x3FB5]  }
0x2d: {  	s3 =	simm.s32 $0x108;
	s8 =	sld [smem:$0x3FB6]  }
0x2e: {  	s3 =	simm.s32 @!p0 $0x1082;
	s9 =	sld [smem:$0x3FB7]  }
0x2f: {  	lr =	sadd.s32 s0, s3;
	s0 =	sld [smem:$0x3FAE]  }
0x30: {  	s3 =	sld [smem:$0x3FB1]  }
0x31: {  	[smem:$0x3FBA] =	sst s10  }
0x32: {  	s10 =	sld [smem:$0x3FB8];
	_ =	sdelay $0x3  }
0x33: {  	p0 =	seq.s32 s10, $0x1;
	s10 =	sld [smem:$0x3FBA];
	_ =	sdelay $0x3  }
0x34: {  	[smem:$0x3FBA] =	sst s10  }
0x35: {  	s10 =	sld [smem:$0x3FB9];
	_ =	sdelay $0x3  }
0x36: {  	p1 =	seq.s32 s10, $0x1;
	s10 =	sld [smem:$0x3FBA];
	_ =	sdelay $0x3  }
0x37: {  	[smem:$0x3FBA] =	sst s10  }
0x38: {  	s10 =	sld [smem:$0x3FBB]  }
0x39: {  	_ = 	snop;
	(pc) =	sbr.ind lr, $3  }
0x3a: {  	_ = 	snop  }
0x3b: {  	_ = 	snop  }
0x3c: {  	p2 =	seq.s32 s10, $0x1;
	s10 =	sld [smem:$0x3FBA]  }
0x3d: {  	_ =	shalt  }
0x3e: {  	_ =	shalt  }
0x3f: {  	_ =	shalt  }
0x40: {  	_ =	shalt  }
0x41: {  	_ =	shalt  }
0x42: {  	_ =	shalt  }
0x43: {  	_ =	shalt  }
0x44: {  	_ =	shalt  }
0x45: {  	_ =	shalt  }
0x46: {  	_ =	shalt  }
0x47: {  	_ =	shalt  }
0x48: {  	_ =	shalt  }
0x49: {  	_ =	shalt  }
0x4a: {  	_ =	shalt  }
0x4b: {  	_ =	shalt  }
0x4c: {  	_ =	shalt  }
0x4d: {  	_ =	shalt  }
0x4e: {  	_ =	shalt  }
0x4f: {  	_ =	shalt  }
0x50: {  	_ =	shalt  }
0x51: {  	_ =	shalt  }
0x52: {  	_ =	shalt  }
0x53: {  	_ =	shalt  }
0x54: {  	_ =	shalt  }
0x55: {  	_ =	shalt  }
0x56: {  	_ =	shalt  }
0x57: {  	_ =	shalt  }
0x58: {  	_ =	shalt  }
0x59: {  	_ =	shalt  }
0x5a: {  	_ =	shalt  }
0x5b: {  	_ =	shalt  }
0x5c: {  	_ =	shalt  }
0x5d: {  	_ =	shalt  }
0x5e: {  	_ =	shalt  }
0x5f: {  	_ =	shalt  }
0x60: {  	_ =	shalt  }
0x61: {  	_ =	shalt  }
0x62: {  	_ =	shalt  }
0x63: {  	_ =	shalt  }
0x64: {  	_ =	shalt  }
0x65: {  	_ =	shalt  }
0x66: {  	_ =	shalt  }
0x67: {  	_ =	shalt  }
0x68: {  	_ =	shalt  }
0x69: {  	_ =	shalt  }
0x6a: {  	_ =	shalt  }
0x6b: {  	_ =	shalt  }
0x6c: {  	_ =	shalt  }
0x6d: {  	_ =	shalt  }
0x6e: {  	_ =	shalt  }
0x6f: {  	_ =	shalt  }
0x70: {  	_ =	shalt  }
0x71: {  	_ =	shalt  }
0x72: {  	_ =	shalt  }
0x73: {  	_ =	shalt  }
0x74: {  	_ =	shalt  }
0x75: {  	_ =	shalt  }
0x76: {  	_ =	shalt  }
0x77: {  	_ =	shalt  }
0x78: {  	_ =	shalt  }
0x79: {  	_ =	shalt  }
0x7a: {  	_ =	shalt  }
0x7b: {  	_ =	shalt  }
0x7c: {  	_ =	shalt  }
0x7d: {  	_ =	shalt  }
0x7e: {  	_ =	shalt  }
0x7f: {  	_ =	shalt  }
0x80: {  	_ =	shalt  }
0x81: {  	_ =	shalt  }
0x82: {  	_ =	shalt  }
0x83: {  	_ =	shalt  }
0x84: {  	_ =	shalt  }
0x85: {  	_ =	shalt  }
0x86: {  	_ =	shalt  }
0x87: {  	_ =	shalt  }
.Lfunc_end0:
.L_simem_size_0:
called_computation.1_lowered:
.L_overlay_start_0:
0x88: {  	s2 =	sld [smem:$0x3FD9]  }
0x89: {  	s3 =	sld [smem:$0x3FFE];
	_ =	sdelay $0x1  }
0x8a: {  	s1 =	srdreg.scid  }
0x8b: {  	s0 =	sand.u32 $0x1, s1  }
0x8c: {  	s17 =	sshll.u32 s0, $0xA;
	s2 =	sadd.s32 s3, s2  }
0x8d: {  	s2 =	sadd.s32 s2, s17  }
0x8e: {  	[smem:$0x3FC6] =	sst s2  }
0x8f: {  	_ = 	snop  }
0x90: {  	s2 =	sld [smem:$0x3FC9];
	(tm) =	ssettm $0x1  }
0x91: {  	s18 =	sld [smem:$0x3FFB];
	_ =	sdelay $0x3  }
0x92: {  	_ =	strace s18  }
0x93: {  	s3 =	sld [smem:$0x3FFC];
	_ =	sdelay $0x3  }
0x94: {  	_ =	strace s3  }
0x95: {  	s3 =	sld [smem:$0x3FFD];
	_ =	sdelay $0x3  }
0x96: {  	_ =	strace s3  }
0x97: {  	_ =	strace $0x8FFFFFFF  }
0x98: {  	s19 =	sld [smem:$0x3FDB];
	_ =	sdelay $0x1  }
0x99: {  	s4 =	simm.s32 $_scs_section_size  }
0x9a: {  	s5 =	simm.s32 $_size__tile_overlayer_lowered;
	s6 =	simm.s32 $_tile_overlayer_lowered  }
0x9b: {  	s22 =	simm.s32 $0x1BFF;
	s21 =	sshll.u32 s6, $0x1;
	s3 =	sadd.s32 s4, s19  }
0x9c: {  	s7 =	simm.s32 $0x0;
	s20 =	sshll.u32 s5, $0x1;
	s5 =	sadd.s32 s21, s3  }
0x9d: {  	[timem:s7], [sflag:s22] =	dma.local [hbm:s5], s20  }
0x9e: {  	_ =	swait.ge [sflag:s22], s20  }
0x9f: {  	s4 =	ssub.s32 $0x0, s20;
	[sflag:s22] =	ssyncset.done $0x0  }
0xa0: {  	[sflag:s22] =	ssyncadd.s32 s4;
	_ =	sdelay $0x1  }
0xa1: {  	s23 =	simm.s32 $0x1B8B  }
0xa2: {  	_ =	swait.ge [sflag:s23], $0x1  }
0xa3: {  	[sflag:s23] =	ssyncset.done $0x0  }
0xa4: {  	s25 =	simm.s32 $0x1B8E;
	s24 =	sld [smem:$0x3FFE];
	[sflag:s23] =	ssyncadd.s32 $0xFFFFFFFF  }
0xa5: {  	s26 =	simm.s32 $execute0_lowered;
	[smem:$0x3FD2] =	sst s25  }
0xa6: {  	s5 =	sshll.u32 s26, $0x1;
	_ =	strace $0x80000046;
	[dreg:$0x1] =	wrdreg $0xFFFFFFFF  }
0xa7: {  	s28 =	simm.s32 $_size_execute0_lowered;
	s3 =	sadd.s32 s3, s5;
	[dreg:$0x0] =	wrdreg $0x0  }
0xa8: {  	s5 =	sshll.u32 s28, $0x1;
	[dreg:$0x2] =	wrdreg s3  }
0xa9: {  	[dreg:$0x3] =	wrdreg s5  }
0xaa: {  	[dreg:$0x4] =	wrdreg $0xC0  }
0xab: {  	_ =	task [dreg:s7], $0x5FFFF  }
0xac: {  	[dreg:$0x1] =	wrdreg $0xFFFFFFFF  }
0xad: {  	[dreg:$0x0] =	wrdreg $0x60  }
0xae: {  	[dreg:$0x2] =	wrdreg s2  }
0xaf: {  	[dreg:$0x3] =	wrdreg s24  }
0xb0: {  	[dreg:$0x4] =	wrdreg $0x9  }
0xb1: {  	_ =	task.clear_ibuf [dreg:s7], $0x5FFFF;
	_ =	strace $0x90000046  }
0xb2: {  	s29 =	simm.s32 $0x9;
	_ =	strace $0x80000048  }
0xb3: {  	_ =	swait.ge [sflag:s29], $0x1  }
0xb4: {  	[sflag:s29] =	ssyncadd.s32 $0xFFFFFFFF  }
0xb5: {  	_ =	strace $0x90000048  }
0xb6: {  	_ =	sfence  }
0xb7: {  	s30 =	sld [smem:$0x0];
	_ =	sdelay $0x2  }
0xb8: {  	s31 =	sshll.u32 s1, $0xD;
	s1 =	sshrl.u32 s1, $0x2  }
0xb9: {  	s3 =	sand.u32 $0x4000, s31;
	s1 =	sadd.s32 s1, s30  }
0xba: {  	s0 =	sor.u32 s3, s0;
	s1 =	sshll.u32 s1, $0x11  }
0xbb: {  	s0 =	sor.u32 s1, s0  }
0xbc: {  	s0 =	sadd.s32 $0x8F2B, s0  }
0xbd: {  	[sflag:s0] =	ssyncadd.remote.s32 $0x1  }
0xbe: {  	_ =	sfence.sel $0xFFFF  }
0xbf: {  	[dreg:$0x0] =	wrdreg $0xFFFFFFFF;
	(pc) =	sbr.abs _section_cstart, $3  }
0xc0: {  	[dreg:$0x1] =	wrdreg $0xFFFFFFFF  }
0xc1: {  	_ =	task.clear_ibuf [dreg:s7], $0x2FFFF;
	_ =	strace $0x9FFFFFFF  }
0xc2: {  	(tm) =	ssettm $0x7FFFFFFF  }
0xc3: {  	_ =	shalt  }
tec
execute0_lowered:
.L_overlay_start_1:
0x0: {  	(tag) =	ssettag $0x1  }
0x1: {  	s0 =	rddreg [dreg:$0x0];
	s1 =	srdreg.scid  }
0x2: {  	s12 =	stileid.u32;
	s4 =	rddreg [dreg:$0x1]  }
0x3: {  	s2 =	simm.s32 $0x0;
	s28 =	simm.s32 $0x8;
	s21 =	smul.u32 $0x190, s12  }
0x4: {  	s1 =	sand.u32 $0x1, s1;
	s3 =	sshll.u32 s12, $0x1;
	s24 =	smul.u32 $0x3200, s12  }
0x5: {  	[smem:$0x7FF] =	sst s2;
	s5 =	sor.u32 s1, s3;
	s22 =	smul.u32 $0xC8, s1  }
0x6: {  	_ =	strace $0x80000047;
	s7 =	ssub.s32 $0x2, s1;
	s1 =	smul.u32 $0x1900, s1  }
0x7: {  	s29 =	simm.s32 $0x0;
	s3 =	sadd.s32 $0xF42C00, s4;
	s6 =	smul.u32 $0xC8, s5  }
0x8: {  	s4 =	sadd.s32 $0x800, s4;
	s8 =	sshrl.u32 s7, $0x1;
	s5 =	smul.u32 $0xC80, s5  }
0x9: {  	s7 =	ssub.s32 s7, s8;
	s26 =	sadd.s32 s22, s21;
	s31 =	sadd.s32 s1, s24  }
0xa: {  	s21 =	simm.s32 $0x5;
	s22 =	simm.s32 $0x2;
	s24 =	simm.s32 $0x3  }
0xb: {  	s9 =	sadd.s32 $0xC4, s6;
	s10 =	sadd.s32 $0xC5, s6;
	s0 =	sadd.s32 s0, s5  }
0xc: {  	s18 =	sadd.s32 $0xC6, s6;
	s6 =	sadd.s32 $0xC7, s6;
	s30 =	smax.u32 s7, $0x1  }
0xd: {  	[dreg:$0x3] =	wrdreg s31;
	s13 =	sshll.u32 s9, $0xB;
	s9 =	sshll.u32 s9, $0x8  }
0xe: {  	s11 =	sshll.u32 s10, $0xB;
	s10 =	sshll.u32 s10, $0x8;
	[dreg:$0x4] =	wrdreg s0  }
0xf: {  	s19 =	sshll.u32 s18, $0xB;
	s5 =	sshll.u32 s18, $0x8;
	s20 =	sshll.u32 s6, $0xB  }
0x10: {  	s6 =	sshll.u32 s6, $0x8;
	[dreg:$0x9] =	wrdreg s30;
	s8 =	sand.u32 $0x1F80000, s13  }
0x11: {  	s9 =	sand.u32 $0xF800, s9;
	s14 =	sand.u32 $0x1F80000, s11;
	s10 =	sand.u32 $0xF800, s10  }
0x12: {  	s5 =	sand.u32 $0xF800, s5;
	s6 =	sand.u32 $0xF800, s6;
	s11 =	sor.u32 $0x3, s26  }
0x13: {  	s13 =	simm.s32 $0x80;
	s26 =	simm.s32 $0x4;
	s8 =	sor.u32 s9, s8  }
0x14: {  	s16 =	sor.u32 s10, s14;
	s14 =	simm.s32 $0x6400;
	s15 =	sadd.s32 s8, s4  }
0x15: {  	s17 =	sadd.s32 s16, s4;
	s8 =	sand.u32 $0x1F80000, s20;
	s0 =	sadd.s32 $0x40000, s15  }
0x16: {  	s20 =	simm.s32 $0x1;
	[dreg:$0x5] =	wrdreg s0;
	s0 =	sadd.s32 $0x50000, s17  }
0x17: {  	s23 =	sor.u32 s6, s8;
	[dreg:$0x6] =	wrdreg s0;
	s0 =	sand.u32 $0x1F80000, s19  }
0x18: {  	s15 =	simm.s32 $0xA400;
	s0 =	sor.u32 s5, s0;
	s5 =	sadd.s32 s23, s4  }
0x19: {  	s17 =	simm.s32 $0xE400;
	s0 =	sadd.s32 s0, s4;
	s25 =	sadd.s32 $0x70000, s5  }
0x1a: {  	s19 =	simm.s32 $0x12400;
	s0 =	sadd.s32 $0x60000, s0;
	[dreg:$0x8] =	wrdreg s25  }
0x1b: {  	s23 =	simm.s32 $0x6;
	s25 =	simm.s32 $0x7;
	[dreg:$0x7] =	wrdreg s0  }
.LBB2_1:
0x1c: {  	s0 =	rddreg [dreg:$0x4];
	s7 =	simm.s32 $0x9  }
0x1d: {  	[tilespmem:s2], [sflag:$0x9] =	stream.linear.gather [hbm4b:s0+s2], $0x6400, $0x38;
	[tilespmem:$0x16400] =	vst v63  }
0x1e: {  	_ =	swait.ge [sflag:s7], $0x6400  }
0x1f: {  	[sflag:s7] =	ssyncset.done $0x0  }
0x20: {  	[sflag:s7] =	ssyncadd.s32 $0xFFFF9C00  }
0x21: {  	[tilespmem:s14], [sflag:$0x1] =	stream.indirect.gather [hbm4b:s3+s13], $0x80, s2, s13, $0xb8;
	[tilespmem:$0x16400] =	vst v63  }
0x22: {  	_ = 	snop  }
0x23: {  	[tilespmem:s15], [sflag:$0x2] =	stream.indirect.gather [hbm4b:s3+s13], $0x80, s13, s13, $0xb8;
	[tilespmem:$0x16400] =	vst v63  }
0x24: {  	s8 =	simm.s32 $0x100  }
0x25: {  	[tilespmem:s17], [sflag:$0x3] =	stream.indirect.gather [hbm4b:s3+s13], $0x80, s8, s13, $0xb8;
	[tilespmem:$0x16400] =	vst v63  }
0x26: {  	s9 =	simm.s32 $0x180  }
0x27: {  	[tilespmem:s19], [sflag:$0x4] =	stream.indirect.gather [hbm4b:s3+s13], $0x80, s9, s13, $0xb8;
	[tilespmem:$0x16400] =	vst v63  }
0x28: {  	_ =	swait.ge [sflag:s20], $0x4000  }
0x29: {  	s10 =	rddreg [dreg:$0x3]  }
0x2a: {  	s1 =	sand.u32 $0x1, s2;
	s0 =	sadd.s32 $0x60, s10  }
0x2b: {  	p0 =	seq.s32 s1, $0x1;
	p1 =	seq.s32 s0, $0x60  }
0x2c: {  	p0 =	por !p1, !p0  }
0x2d: {  	s12 =	sadd.s32 $0xFFFFFFFD, s11;
	s1 =	simm.s32 $0x1;
	p0 =	por !p0, !p0  }
0x2e: {  	s5 =	simm.s32 $0x0;
	s6 =	sshrl.u32 s12, $0x3;
	s1 =	simm.s32 @!p0 $0x0  }
0x2f: {  	s5 =	sand.u32 $0x80, s5;
	s0 =	sand.u32 $0x3F00, s12;
	s1 =	ssub.s32 s6, s1  }
0x30: {  	s0 =	sor.u32 s0, s5;
	s1 =	sand.u32 $0x1F, s1  }
0x31: {  	s30 =	simm.s32 $0x380;
	s16 =	sadd.s32 $0xFFFFFFFE, s11;
	s0 =	sor.u32 s0, s1  }
0x32: {  	s18 =	simm.s32 $0x20;
	[sflag:s20] =	ssyncset.done $0x0;
	s0 =	sshll.u32 s0, $0xB  }
0x33: {  	s31 =	simm.s32 $0xE0;
	[sflag:s20] =	ssyncadd.s32 $0xFFFFC000;
	s0 =	sadd.s32 s4, s0  }
0x34: {  	[hbm4b:s0+s2] =	stream.linear.scatter [tilespmem:s14], [sflag:$0x5], $0x4000, $0x38;
	[tilespmem:$0x16400] =	vst v63  }
0x35: {  	s7 =	sand.u32 $0x3F00, s16;
	s8 =	simm.s32 $0x200;
	_ =	swait.ge [sflag:s21], $0x4000  }
0x36: {  	s6 =	sand.u32 $0xA0, s18;
	s1 =	sshrl.u32 s16, $0x3;
	[sflag:s21] =	ssyncset.done $0x0  }
0x37: {  	s1 =	sand.u32 $0x1F, s1;
	s0 =	sor.u32 s6, s7;
	[sflag:s21] =	ssyncadd.s32 $0xFFFFC000  }
0x38: {  	[tilespmem:s14], [sflag:$0x1] =	stream.indirect.gather [hbm4b:s3+s13], $0x80, s8, s13, $0xb8;
	[tilespmem:$0x16400] =	vst v63  }
0x39: {  	s9 =	simm.s32 $0x40;
	s0 =	sor.u32 s1, s0;
	_ =	swait.ge [sflag:s22], $0x4000  }
0x3a: {  	s10 =	sadd.s32 $0xFFFFFFFF, s11;
	s0 =	sshll.u32 s0, $0xB;
	[sflag:s22] =	ssyncset.done $0x0  }
0x3b: {  	s12 =	sshrl.u32 s10, $0x3;
	s0 =	sadd.s32 s4, s0;
	[sflag:s22] =	ssyncadd.s32 $0xFFFFC000  }
0x3c: {  	[hbm4b:s0+s2] =	stream.linear.scatter [tilespmem:s15], [sflag:$0x6], $0x4000, $0x38;
	[tilespmem:$0x16400] =	vst v63  }
0x3d: {  	s5 =	simm.s32 $0x60;
	s16 =	simm.s32 $0x280;
	_ =	swait.ge [sflag:s23], $0x4000  }
0x3e: {  	s7 =	sand.u32 $0x3F00, s10;
	s1 =	sand.u32 $0xC0, s9;
	[sflag:s23] =	ssyncset.done $0x0  }
0x3f: {  	s1 =	sor.u32 s1, s7;
	s0 =	sand.u32 $0x1F, s12;
	[sflag:s23] =	ssyncadd.s32 $0xFFFFC000  }
0x40: {  	[tilespmem:s15], [sflag:$0x2] =	stream.indirect.gather [hbm4b:s3+s13], $0x80, s16, s13, $0xb8;
	[tilespmem:$0x16400] =	vst v63  }
0x41: {  	s5 =	sand.u32 $0xE0, s5;
	s0 =	sor.u32 s0, s1;
	_ =	swait.ge [sflag:s24], $0x4000  }
0x42: {  	s7 =	simm.s32 $0x300;
	s18 =	sshll.u32 s0, $0xB;
	[sflag:s24] =	ssyncset.done $0x0  }
0x43: {  	s1 =	simm.s32 $0x580;
	s6 =	sadd.s32 s4, s18;
	[sflag:s24] =	ssyncadd.s32 $0xFFFFC000  }
0x44: {  	[hbm4b:s6+s2] =	stream.linear.scatter [tilespmem:s17], [sflag:$0x7], $0x4000, $0x38;
	[tilespmem:$0x16400] =	vst v63  }
0x45: {  	s0 =	sadd.s32 $0x4, s11;
	s18 =	sand.u32 $0x3F00, s11;
	_ =	swait.ge [sflag:s25], $0x4000  }
0x46: {  	s16 =	simm.s32 $0x1;
	s6 =	sshrl.u32 s11, $0x3;
	[sflag:s25] =	ssyncset.done $0x0  }
.LBB2_2:
0x47: {  	[sflag:s25] =	ssyncadd.s32 $0xFFFFC000;
	s8 =	sor.u32 s5, s18;
	s6 =	sand.u32 $0x1F, s6  }
0x48: {  	[tilespmem:s17], [sflag:$0x3] =	stream.indirect.gather [hbm4b:s3+s13], $0x80, s7, s13, $0xb8;
	[tilespmem:$0x16400] =	vst v63  }
0x49: {  	s6 =	sor.u32 s6, s8;
	_ =	swait.ge [sflag:s26], $0x4000  }
0x4a: {  	s6 =	sshll.u32 s6, $0xB;
	[sflag:s26] =	ssyncset.done $0x0  }
0x4b: {  	s6 =	sadd.s32 s4, s6;
	[sflag:s26] =	ssyncadd.s32 $0xFFFFC000  }
0x4c: {  	[hbm4b:s6+s2] =	stream.linear.scatter [tilespmem:s19], [sflag:$0x8], $0x4000, $0x38;
	[tilespmem:$0x16400] =	vst v63  }
0x4d: {  	_ =	swait.ge [sflag:s28], $0x4000  }
0x4e: {  	[sflag:s28] =	ssyncset.done $0x0  }
0x4f: {  	s5 =	smov.u32 s31;
	s8 =	sand.u32 $0x1, s16;
	[sflag:s28] =	ssyncadd.s32 $0xFFFFC000  }
0x50: {  	[tilespmem:s19], [sflag:$0x4] =	stream.indirect.gather [hbm4b:s3+s13], $0x80, s30, s13, $0xb8;
	[tilespmem:$0x16400] =	vst v63  }
0x51: {  	s9 =	sadd.s32 $0xFFFFFFFD, s0;
	p1 =	seq.s32 s8, $0x1;
	_ =	swait.ge [sflag:s20], $0x4000  }
0x52: {  	s8 =	sshrl.u32 s9, $0x3;
	s6 =	sand.u32 $0x3F00, s9;
	s9 =	rddreg [dreg:$0x3]  }
0x53: {  	s12 =	sadd.s32 s5, s9  }
0x54: {  	p2 =	seq.s32 s12, $0x60  }
0x55: {  	s10 =	sadd.s32 $0xFFFFFFA0, s5;
	p1 =	por !p2, !p1  }
0x56: {  	s7 =	sand.u32 $0x80, s10;
	s10 =	simm.s32 $0x1;
	p1 =	por !p1, !p1  }
0x57: {  	s10 =	simm.s32 @!p1 $0x0  }
0x58: {  	s18 =	smov.u32 s0;
	s8 =	ssub.s32 s8, s10  }
0x59: {  	p0 =	sne.s32 s31, $0x1860;
	s6 =	sor.u32 s6, s7;
	s8 =	sand.u32 $0x1F, s8  }
0x5a: {  	s31 =	sadd.s32 $0x80, s31;
	[sflag:s20] =	ssyncset.done $0x0;
	s6 =	sor.u32 s6, s8  }
0x5b: {  	s7 =	sadd.s32 $0xFFFFFFFE, s0;
	[sflag:s20] =	ssyncadd.s32 $0xFFFFC000;
	s6 =	sshll.u32 s6, $0xB  }
0x5c: {  	s9 =	sadd.s32 $0xFFFFFFC0, s5;
	s12 =	sand.u32 $0x3F00, s7;
	s6 =	sadd.s32 s4, s6  }
0x5d: {  	[hbm4b:s6+s2] =	stream.linear.scatter [tilespmem:s14], [sflag:$0x5], $0x4000, $0x38;
	[tilespmem:$0x16400] =	vst v63  }
0x5e: {  	s9 =	sand.u32 $0xA0, s9;
	s7 =	sshrl.u32 s7, $0x3;
	_ =	swait.ge [sflag:s21], $0x4000  }
0x5f: {  	s9 =	sor.u32 s9, s12;
	s7 =	sand.u32 $0x1F, s7;
	[sflag:s21] =	ssyncset.done $0x0  }
0x60: {  	s7 =	sor.u32 s7, s9;
	s9 =	sadd.s32 $0xFFFFFE80, s1;
	[sflag:s21] =	ssyncadd.s32 $0xFFFFC000  }
0x61: {  	[tilespmem:s14], [sflag:$0x1] =	stream.indirect.gather [hbm4b:s3+s13], $0x80, s9, s13, $0xb8;
	[tilespmem:$0x16400] =	vst v63  }
0x62: {  	s16 =	sadd.s32 $0x1, s16;
	s30 =	smov.u32 s1;
	_ =	swait.ge [sflag:s22], $0x4000  }
0x63: {  	s7 =	sshll.u32 s7, $0xB;
	s10 =	sadd.s32 $0xFFFFFFFF, s0;
	[sflag:s22] =	ssyncset.done $0x0  }
0x64: {  	s7 =	sadd.s32 s4, s7;
	s12 =	sand.u32 $0x3F00, s10;
	[sflag:s22] =	ssyncadd.s32 $0xFFFFC000  }
0x65: {  	[hbm4b:s7+s2] =	stream.linear.scatter [tilespmem:s15], [sflag:$0x6], $0x4000, $0x38;
	[tilespmem:$0x16400] =	vst v63  }
0x66: {  	s8 =	sshrl.u32 s10, $0x3;
	s6 =	sadd.s32 $0xFFFFFFE0, s5;
	_ =	swait.ge [sflag:s23], $0x4000  }
0x67: {  	s10 =	sand.u32 $0x1F, s8;
	s6 =	sand.u32 $0xC0, s6;
	[sflag:s23] =	ssyncset.done $0x0  }
0x68: {  	s6 =	sor.u32 s6, s12;
	s12 =	sadd.s32 $0xFFFFFF00, s1;
	[sflag:s23] =	ssyncadd.s32 $0xFFFFC000  }
0x69: {  	[tilespmem:s15], [sflag:$0x2] =	stream.indirect.gather [hbm4b:s3+s13], $0x80, s12, s13, $0xb8;
	[tilespmem:$0x16400] =	vst v63  }
0x6a: {  	s0 =	sadd.s32 $0x4, s0;
	s6 =	sor.u32 s10, s6;
	_ =	swait.ge [sflag:s24], $0x4000  }
.Ltmp0:
0x6b: {  	s6 =	sshll.u32 s6, $0xB;
	[sflag:s24] =	ssyncset.done $0x0;
	(pc) =	sbr.rel @p0 .LBB2_2-.Ltmp0, $4  }
0x6c: {  	s5 =	sand.u32 $0xE0, s5;
	s6 =	sadd.s32 s4, s6;
	[sflag:s24] =	ssyncadd.s32 $0xFFFFC000  }
0x6d: {  	[hbm4b:s6+s2] =	stream.linear.scatter [tilespmem:s17], [sflag:$0x7], $0x4000, $0x38;
	[tilespmem:$0x16400] =	vst v63  }
0x6e: {  	s1 =	sadd.s32 $0x200, s1;
	s7 =	sadd.s32 $0xFFFFFF80, s30;
	_ =	swait.ge [sflag:s25], $0x4000  }
0x6f: {  	s6 =	sshrl.u32 s18, $0x3;
	s18 =	sand.u32 $0x3F00, s18;
	[sflag:s25] =	ssyncset.done $0x0  }
0x70: {  	[sflag:s25] =	ssyncadd.s32 $0xFFFFC000;
	s0 =	sor.u32 s5, s18;
	s1 =	sand.u32 $0x1F, s6  }
0x71: {  	[tilespmem:s17], [sflag:$0x3] =	stream.indirect.gather [hbm4b:s3+s13], $0x80, s7, s13, $0xb8;
	[tilespmem:$0x16400] =	vst v63  }
0x72: {  	s0 =	sor.u32 s1, s0;
	_ =	swait.ge [sflag:s26], $0x4000  }
0x73: {  	s0 =	sshll.u32 s0, $0xB;
	[sflag:s26] =	ssyncset.done $0x0  }
0x74: {  	s0 =	sadd.s32 s4, s0;
	[sflag:s26] =	ssyncadd.s32 $0xFFFFC000  }
0x75: {  	[hbm4b:s0+s2] =	stream.linear.scatter [tilespmem:s19], [sflag:$0x8], $0x4000, $0x38;
	[tilespmem:$0x16400] =	vst v63  }
0x76: {  	_ =	swait.ge [sflag:s28], $0x4000  }
0x77: {  	[sflag:s28] =	ssyncset.done $0x0  }
0x78: {  	[sflag:s28] =	ssyncadd.s32 $0xFFFFC000  }
0x79: {  	[tilespmem:s19], [sflag:$0x4] =	stream.indirect.gather [hbm4b:s3+s13], $0x80, s30, s13, $0xb8;
	[tilespmem:$0x16400] =	vst v63  }
0x7a: {  	_ =	swait.ge [sflag:s20], $0x4000  }
0x7b: {  	[sflag:s20] =	ssyncset.done $0x0  }
0x7c: {  	s12 =	rddreg [dreg:$0x5];
	[sflag:s20] =	ssyncadd.s32 $0xFFFFC000  }
0x7d: {  	[hbm4b:s12+s2] =	stream.linear.scatter [tilespmem:s14], [sflag:$0x5], $0x4000, $0x38;
	[tilespmem:$0x16400] =	vst v63  }
0x7e: {  	_ =	swait.ge [sflag:s21], $0x4000  }
0x7f: {  	[sflag:s21] =	ssyncset.done $0x0  }
0x80: {  	[sflag:s21] =	ssyncadd.s32 $0xFFFFC000  }
0x81: {  	_ =	swait.ge [sflag:s22], $0x4000  }
0x82: {  	[sflag:s22] =	ssyncset.done $0x0  }
0x83: {  	s16 =	rddreg [dreg:$0x6];
	[sflag:s22] =	ssyncadd.s32 $0xFFFFC000  }
0x84: {  	[hbm4b:s16+s2] =	stream.linear.scatter [tilespmem:s15], [sflag:$0x6], $0x4000, $0x38;
	[tilespmem:$0x16400] =	vst v63  }
0x85: {  	_ =	swait.ge [sflag:s23], $0x4000  }
0x86: {  	[sflag:s23] =	ssyncset.done $0x0  }
0x87: {  	[sflag:s23] =	ssyncadd.s32 $0xFFFFC000  }
0x88: {  	_ =	swait.ge [sflag:s24], $0x4000  }
0x89: {  	[sflag:s24] =	ssyncset.done $0x0  }
0x8a: {  	s18 =	rddreg [dreg:$0x7];
	[sflag:s24] =	ssyncadd.s32 $0xFFFFC000  }
0x8b: {  	[hbm4b:s18+s2] =	stream.linear.scatter [tilespmem:s17], [sflag:$0x7], $0x4000, $0x38;
	[tilespmem:$0x16400] =	vst v63  }
0x8c: {  	_ =	swait.ge [sflag:s25], $0x4000  }
0x8d: {  	[sflag:s25] =	ssyncset.done $0x0  }
0x8e: {  	[sflag:s25] =	ssyncadd.s32 $0xFFFFC000  }
0x8f: {  	_ =	swait.ge [sflag:s26], $0x4000  }
0x90: {  	[sflag:s26] =	ssyncset.done $0x0  }
0x91: {  	s30 =	rddreg [dreg:$0x8];
	[sflag:s26] =	ssyncadd.s32 $0xFFFFC000  }
0x92: {  	[hbm4b:s30+s2] =	stream.linear.scatter [tilespmem:s19], [sflag:$0x8], $0x4000, $0x38;
	[tilespmem:$0x16400] =	vst v63  }
0x93: {  	_ =	swait.ge [sflag:s28], $0x4000  }
0x94: {  	s29 =	sadd.s32 $0x1, s29;
	s31 =	rddreg [dreg:$0x9]  }
0x95: {  	p0 =	sne.s32 s29, s31  }
.Ltmp1:
0x96: {  	_ = 	snop;
	(pc) =	sbr.rel @p0 .LBB2_1-.Ltmp1, $3  }
0x97: {  	_ =	sdelay $0x1  }
0x98: {  	[sflag:s28] =	ssyncset.done $0x0  }
0x99: {  	[sflag:s28] =	ssyncadd.s32 $0xFFFFC000  }
0x9a: {  	_ =	sfence.sel $0x180000  }
0x9b: {  	[bflag:$0x0] =	sbarrier.arrive $0xFFFF  }
0x9c: {  	_ =	strace $0x90000047  }
0x9d: {  	s0 =	stileid.u32;
	[bflag:$0x2] =	sbarrier.arrive $0xFFFF  }
0x9e: {  	p0 =	sne.s32 s0, $0x0;
	s0 =	rddreg [dreg:$0x2]  }
0x9f: {  	s0 =	sadd.s32 @!p0 $0x100000, s0  }
0xa0: {  	[sflag:s0] =	ssyncadd.tile.s32 @!p0 $0x1;
	_ =	shalt  }
.Lfunc_end2:
_tile_overlayer_lowered:
.L_overlay_start_2:
0xa1: {  	(tag) =	ssettag $0x2  }
0xa2: {  	s0 =	rddreg [dreg:$0x0];
	s2 =	stileid.u32  }
0xa3: {  	s1 =	rddreg [dreg:$0x1];
	p0 =	sne.s32 s2, $0x0  }
0xa4: {  	s3 =	rddreg [dreg:$0x2];
	[bflag:$0x3] =	sbarrier.arrive $0xFFFF;
	s2 =	simm.s32 @!p0 $0x1C09  }
0xa5: {  	[timem:s3], [sflag:s2] =	dma.local @!p0 [hbm:s0], s1  }
0xa6: {  	s0 =	simm.s32 @!p0 $0x9  }
0xa7: {  	_ =	swait.ge @!p0 [sflag:s0], s1  }
0xa8: {  	s1 =	ssub.s32 @!p0 $0x0, s1;
	[sflag:s0] =	ssyncset.done @!p0 $0x0  }
0xa9: {  	[sflag:s0] =	ssyncadd.s32 @!p0 s1  }
0xaa: {  	[bflag:$0x3] =	sbarrier.arrive $0xFFFF  }
0xab: {  	_ =	shalt  }

// kernel: sparse-core-data-format-call.cloned.1.call-start
scs
called_computation_lowered:
.L_overlay_start_0:
0x0: {  	s2 =	sld [smem:$0x3FD9]  }
0x1: {  	s3 =	sld [smem:$0x3FFE];
	_ =	sdelay $0x1  }
0x2: {  	s1 =	srdreg.scid  }
0x3: {  	s0 =	sand.u32 $0x1, s1  }
0x4: {  	s18 =	sshll.u32 s0, $0xA;
	s2 =	sadd.s32 s3, s2  }
0x5: {  	s2 =	sadd.s32 s2, s18  }
0x6: {  	[smem:$0x3FC6] =	sst s2  }
0x7: {  	_ = 	snop  }
0x8: {  	s2 =	sld [smem:$0x3FD0];
	(tm) =	ssettm $0x1  }
0x9: {  	s19 =	sld [smem:$0x3FFB];
	_ =	sdelay $0x3  }
0xa: {  	_ =	strace s19  }
0xb: {  	s3 =	sld [smem:$0x3FFC];
	_ =	sdelay $0x3  }
0xc: {  	_ =	strace s3  }
0xd: {  	s3 =	sld [smem:$0x3FFD];
	_ =	sdelay $0x3  }
0xe: {  	_ =	strace s3  }
0xf: {  	_ =	strace $0x8FFFFFFF  }
0x10: {  	s20 =	sld [smem:$0x3FDB];
	_ =	sdelay $0x1  }
0x11: {  	s4 =	simm.s32 $_scs_section_size  }
0x12: {  	s5 =	simm.s32 $_size__tile_overlayer_lowered;
	s6 =	simm.s32 $_tile_overlayer_lowered  }
0x13: {  	s23 =	simm.s32 $0x1BFF;
	s22 =	sshll.u32 s6, $0x1;
	s3 =	sadd.s32 s4, s20  }
0x14: {  	s7 =	simm.s32 $0x0;
	s21 =	sshll.u32 s5, $0x1;
	s5 =	sadd.s32 s22, s3  }
0x15: {  	[timem:s7], [sflag:s23] =	dma.local [hbm:s5], s21  }
0x16: {  	_ =	swait.ge [sflag:s23], s21  }
0x17: {  	s4 =	ssub.s32 $0x0, s21;
	[sflag:s23] =	ssyncset.done $0x0  }
0x18: {  	[sflag:s23] =	ssyncadd.s32 s4;
	_ =	sdelay $0x1  }
0x19: {  	s24 =	simm.s32 $0x1B8B  }
0x1a: {  	_ =	swait.ge [sflag:s24], $0x1  }
0x1b: {  	[sflag:s24] =	ssyncset.done $0x0  }
0x1c: {  	s26 =	simm.s32 $0x1B8E;
	s25 =	sld [smem:$0x3FFE];
	[sflag:s24] =	ssyncadd.s32 $0xFFFFFFFF  }
0x1d: {  	s27 =	simm.s32 $execute0_lowered;
	[smem:$0x3FD2] =	sst s26  }
0x1e: {  	s5 =	sshll.u32 s27, $0x1;
	_ =	strace $0x80000049;
	[dreg:$0x1] =	wrdreg $0xFFFFFFFF  }
0x1f: {  	s28 =	simm.s32 $_size_execute0_lowered;
	s3 =	sadd.s32 s3, s5;
	[dreg:$0x0] =	wrdreg $0x0  }
0x20: {  	s5 =	sshll.u32 s28, $0x1;
	[dreg:$0x2] =	wrdreg s3  }
0x21: {  	[dreg:$0x3] =	wrdreg s5  }
0x22: {  	[dreg:$0x4] =	wrdreg $0xC0  }
0x23: {  	_ =	task [dreg:s7], $0x5FFFF  }
0x24: {  	[dreg:$0x1] =	wrdreg $0xFFFFFFFF  }
0x25: {  	[dreg:$0x0] =	wrdreg $0x60  }
0x26: {  	[dreg:$0x2] =	wrdreg s25  }
0x27: {  	[dreg:$0x3] =	wrdreg s2  }
0x28: {  	[dreg:$0x4] =	wrdreg $0x9  }
0x29: {  	_ =	task.clear_ibuf [dreg:s7], $0x5FFFF;
	_ =	strace $0x90000049  }
0x2a: {  	s29 =	simm.s32 $0x9;
	_ =	strace $0x8000004B  }
0x2b: {  	_ =	swait.ge [sflag:s29], $0x1  }
0x2c: {  	[sflag:s29] =	ssyncadd.s32 $0xFFFFFFFF  }
0x2d: {  	_ =	strace $0x9000004B  }
0x2e: {  	_ =	sfence  }
0x2f: {  	s30 =	sld [smem:$0x0];
	_ =	sdelay $0x2  }
0x30: {  	s31 =	sshll.u32 s1, $0xD;
	s1 =	sshrl.u32 s1, $0x2  }
0x31: {  	s3 =	sand.u32 $0x4000, s31;
	s1 =	sadd.s32 s1, s30  }
0x32: {  	s0 =	sor.u32 s3, s0;
	s1 =	sshll.u32 s1, $0x11  }
0x33: {  	s0 =	sor.u32 s1, s0  }
0x34: {  	s0 =	sadd.s32 $0x8F2B, s0  }
0x35: {  	[sflag:s0] =	ssyncadd.remote.s32 $0x1  }
0x36: {  	_ =	sfence.sel $0xFFFF  }
0x37: {  	[dreg:$0x0] =	wrdreg $0xFFFFFFFF;
	(pc) =	sbr.abs _section_cstart, $3  }
0x38: {  	[dreg:$0x1] =	wrdreg $0xFFFFFFFF  }
0x39: {  	_ =	task.clear_ibuf [dreg:s7], $0x2FFFF;
	_ =	strace $0x9FFFFFFF  }
0x3a: {  	(tm) =	ssettm $0x7FFFFFFF  }
0x3b: {  	_ =	shalt  }
tec
execute0_lowered:
.L_overlay_start_1:
0x0: {  	(tag) =	ssettag $0x1  }
0x1: {  	s0 =	srdreg.scid  }
0x2: {  	s1 =	sshll.u32 s0, $0x4  }
0x3: {  	s5 =	rddreg [dreg:$0x0];
	s0 =	stileid.u32;
	s1 =	sand.u32 $0x10, s1  }
0x4: {  	s3 =	rddreg [dreg:$0x1];
	s31 =	simm.s32 $0x2;
	s4 =	sor.u32 s0, s1  }
0x5: {  	s13 =	simm.s32 $0x0;
	s9 =	simm.s32 $0x400;
	s2 =	sshll.u32 s4, $0x7  }
0x6: {  	s10 =	simm.s32 $0x8000;
	s14 =	simm.s32 $0x0;
	s6 =	ssub.s32 $0x1000, s2  }
0x7: {  	s1 =	rddreg [dreg:$0x2];
	_ =	strace $0x8000004A;
	s7 =	sand.u32 $0xF80, s6  }
0x8: {  	s4 =	sshll.u32 s4, $0xB;
	p0 =	sne.s32 s7, $0x0;
	s7 =	simm.s32 $0x1  }
.Ltmp0:
0x9: {  	s6 =	sshrl.u32 s6, $0xC;
	s7 =	simm.s32 @!p0 $0x0;
	(pc) =	sbr.rel .LBB1_1-.Ltmp0, $4  }
0xa: {  	s8 =	sadd.s32 s4, s5;
	s4 =	simm.s32 $0x1;
	s30 =	sadd.s32 s7, s6  }
0xb: {  	s11 =	simm.s32 $0x0;
	[sflag:s4] =	ssyncpa.u1 $0x0;
	s5 =	smul.u32 $0x64, s30  }
0xc: {  	s12 =	simm.s32 $0x0;
	[sflag:s31] =	ssyncpa.u1 $0x0;
	p0 =	por $0x0, $0x0  }
0xd: {  	s6 =	sadd.s32 $0x800, s8;
	s7 =	sadd.s32 $0x10800, s8;
	s8 =	sor.u32 $0x1, s5  }
.LBB1_7:
0xe: {  	s15 =	sadd.s32 $0x2, s11  }
0xf: {  	p2 =	sgt.s32 s15, $0xC7  }
0x10: {  	s15 =	simm.s32 @p2 $0x0;
	p2 =	sne.s32 s12, s8  }
.Ltmp1:
0x11: {  	p1 =	slt.u32 s12, $0x2;
	(pc) =	sbr.rel @!p2 .LBB1_8-.Ltmp1, $4  }
0x12: {  	s13 =	simm.s32 @!p1 $0x2  }
0x13: {  	s16 =	sadd.s32 $0x1, s12;
	s14 =	smov.u32 s11;
	_ =	swait.ge @!p1 [sflag:s13], $0x4000  }
0x14: {  	p0 =	por !p0, !p0;
	s12 =	smov.u32 s16;
	[sflag:s13] =	ssyncset.done @!p1 $0x0  }
0x15: {  	s11 =	smov.u32 s15;
	[sflag:s13] =	ssyncadd.s32 @!p1 $0xFFFFC000;
	s13 =	smov.u32 s2  }
.LBB1_1:
0x16: {  	p1 =	sge.u32 s12, s5  }
0x17: {  	s15 =	sxor.u32 @!p1 $0xFFFFFFFF, s12  }
0x18: {  	s16 =	sshll.u32 @!p1 s11, $0x10;
	s18 =	simm.s32 @!p1 $0x40;
	s15 =	sshll.u32 @!p1 s15, $0xE  }
0x19: {  	s19 =	simm.s32 @!p1 $0x80;
	s17 =	sadd.s32 @!p1 s16, s6;
	s15 =	sand.u32 @!p1 $0x4000, s15  }
0x1a: {  	[tilespmem:s15], [sflag:$0x1] =	stream.strided.gather @!p1 [hbm4b:s17+s18], $0x2000, s19, s18, $0x38;
	[tilespmem:$0x10100] =	vst v63  }
0x1b: {  	s31 =	sadd.s32 $0xFFFFFFFF, s12;
	s16 =	sadd.s32 @!p1 s16, s7;
	s15 =	sor.u32 @!p1 $0x2000, s15  }
0x1c: {  	[tilespmem:s15], [sflag:$0x1] =	stream.strided.gather @!p1 [hbm4b:s16+s18], $0x2000, s19, s18, $0x38;
	[tilespmem:$0x10100] =	vst v63  }
0x1d: {  	p1 =	sge.u32 s31, s5  }
.Ltmp2:
0x1e: {  	_ = 	snop;
	(pc) =	sbr.rel @p1 .LBB1_7-.Ltmp2, $1  }
0x1f: {  	_ =	sdelay $0x3  }
0x20: {  	s15 =	simm.s32 $0x1;
	s17 =	sand.u32 $0x1, s12  }
0x21: {  	_ =	swait.ge [sflag:s4], $0x4000;
	s15 =	simm.s32 @!p0 $0x0;
	s17 =	smul.u32 $0x10200, s17  }
0x22: {  	p2 =	por $0x1, $0x1;
	[sflag:s4] =	ssyncset.done $0x0;
	s16 =	smul.u32 $0x10200, s15  }
0x23: {  	s18 =	sshll.u32 s15, $0x10;
	[sflag:s4] =	ssyncadd.s32 $0xFFFFC000;
	s30 =	sshrl.u32 s17, $0x2  }
0x24: {  	s31 =	sshrl.u32 s18, $0x2;
	s18 =	simm.s32 $0x0;
	s16 =	sshrl.u32 s16, $0x2  }
0x25: {  	s15 =	sor.u32 $0x8000, s30;
	s17 =	sadd.s32 $0x20, s31;
	s16 =	sor.u32 $0x8000, s16  }
.LBB1_3:
0x26: {  	s19 =	sshll.u32 s18, $0xD  }
0x27: {  	s19 =	sand.u32 $0x3FFFE000, s19  }
0x28: {  	s21 =	sadd.s32 s19, s17  }
0x29: {  	s31 =	smul.u32 $0x8100, s18;
	v3 =	vld [tilespmem:s21+$0x10]  }
0x2a: {  	v1 =	vld [tilespmem:s21+$0xFFFFFFF0]  }
0x2b: {  	s18 =	sshra.s32 s31, $0x2;
	v0 =	vld [tilespmem:s21+$0x0]  }
0x2c: {  	s18 =	sadd.s32 s18, s16;
	v2 =	vld [tilespmem:s21+$0xFFFFFFE0]  }
0x2d: {  	s19 =	sadd.s32 $0x0, s18  }
0x2e: {  	p1 =	por p2, p2;
	s20 =	simm.s32 $0x4;
	s21 =	sadd.s32 $0x40, s21;
	[tilespmem:s19+$0x1830 ss:$0x81] =	vst.msk $0xffff, v3  }
.LBB1_4:
0x2f: {  	v3 =	vld [tilespmem:s21+$0x10];
	p2 =	sne.s32 s20, $0x1FC;
	[tilespmem:s19+$0x810 ss:$0x81] =	vst.msk $0xffff, v1;
	s22 =	smov.u32 s20;
	s20 =	sadd.s32 $0x4, s20  }
.Ltmp3:
0x30: {  	v1 =	vld [tilespmem:s21+$0xFFFFFFF0];
	[tilespmem:s19+$0x1020 ss:$0x81] =	vst.msk $0xffff, v0;
	(pc) =	sbr.rel @p2 .LBB1_4-.Ltmp3, $4  }
0x31: {  	v0 =	vld [tilespmem:s21+$0x0];
	[tilespmem:s19+$0x0 ss:$0x81] =	vst.msk $0xffff, v2  }
0x32: {  	s19 =	sshra.s32 s22, $0x2;
	v2 =	vld [tilespmem:s21+$0xFFFFFFE0]  }
0x33: {  	s19 =	sadd.s32 s19, s18  }
0x34: {  	s21 =	sadd.s32 $0x40, s21;
	[tilespmem:s19+$0x1830 ss:$0x81] =	vst.msk $0xffff, v3  }
.Ltmp4:
0x35: {  	(pc) =	sbr.rel @p1 .LBB1_3-.Ltmp4, $4  }
0x36: {  	_ = 	snop  }
0x37: {  	[tilespmem:s19+$0x810 ss:$0x81] =	vst.msk $0xffff, v1  }
0x38: {  	[tilespmem:s19+$0x1020 ss:$0x81] =	vst.msk $0xffff, v0  }
0x39: {  	s18 =	simm.s32 $0x1;
	p2 =	por $0x0, $0x0;
	[tilespmem:s19+$0x0 ss:$0x81] =	vst.msk $0xffff, v2  }
.Ltmp5:
0x3a: {  	(pc) =	sbr.rel .LBB1_7-.Ltmp5, $4  }
0x3b: {  	s14 =	sshll.u32 s14, $0xF  }
0x3c: {  	s14 =	sadd.s32 s3, s14  }
0x3d: {  	s13 =	sadd.s32 s13, s14  }
0x3e: {  	[hbm4b:s13+s9] =	stream.strided.scatter [tilespmem:s15], [sflag:$0x2], $0x4000, s10, s9, $0x20;
	[tilespmem:$0x10100] =	vst v63  }
.LBB1_8:
0x3f: {  	_ =	sfence.sel $0x180000  }
0x40: {  	s2 =	simm.s32 $0x1;
	[bflag:$0x0] =	sbarrier.arrive $0xFFFF  }
0x41: {  	s31 =	simm.s32 $0x2;
	[sflag:s2] =	ssyncpa.u1 $0x1  }
0x42: {  	[sflag:s31] =	ssyncpa.u1 $0x1  }
0x43: {  	p0 =	sne.s32 s0, $0x0;
	_ =	strace $0x9000004A  }
0x44: {  	s0 =	sadd.s32 @!p0 $0x100000, s1;
	[bflag:$0x2] =	sbarrier.arrive $0xFFFF  }
0x45: {  	[sflag:s0] =	ssyncadd.tile.s32 @!p0 $0x1;
	_ =	shalt  }
.Lfunc_end1:
_tile_overlayer_lowered:
.L_overlay_start_2:
0x46: {  	(tag) =	ssettag $0x2  }
0x47: {  	s0 =	rddreg [dreg:$0x0];
	s2 =	stileid.u32  }
0x48: {  	s1 =	rddreg [dreg:$0x1];
	p0 =	sne.s32 s2, $0x0  }
0x49: {  	s3 =	rddreg [dreg:$0x2];
	[bflag:$0x3] =	sbarrier.arrive $0xFFFF;
	s2 =	simm.s32 @!p0 $0x1C01  }
0x4a: {  	[timem:s3], [sflag:s2] =	dma.local @!p0 [hbm:s0], s1  }
0x4b: {  	s0 =	simm.s32 @!p0 $0x1  }
0x4c: {  	_ =	swait.ge @!p0 [sflag:s0], s1  }
0x4d: {  	s1 =	ssub.s32 @!p0 $0x0, s1;
	[sflag:s0] =	ssyncset.done @!p0 $0x0  }
0x4e: {  	[sflag:s0] =	ssyncadd.s32 @!p0 s1  }
0x4f: {  	[bflag:$0x3] =	sbarrier.arrive $0xFFFF  }
0x50: {  	_ =	shalt  }

</sc_bundles>
